<compile_context>
chip_gen: v7x
topology: tpu7x:2x2x1
jax: 0.10.2.dev20260603
libtpu: 0.0.44.dev20260713+nightly
codegen_flags: <defaults>
</compile_context>

<pallas_src>
import functools

import jax
import jax.numpy as jnp
from jax import lax
from jax.experimental import pallas as pl
from jax.experimental.pallas import tpu as pltpu
from jax.experimental.pallas import tpu_sc as plsc

S = 4096
T = 200
D = 64
NC, NS = 2, 16
NW = NC * NS
C = 128
UNITS = (S // C) * T
UPW = UNITS // NW
SB = S // C

_mesh = plsc.VectorSubcoreMesh(core_axis_name="c", subcore_axis_name="s")


@functools.partial(
    pl.kernel,
    mesh=_mesh,
    out_type=jax.ShapeDtypeStruct((T, S, 128), jnp.float32),
    scratch_types=[
        pltpu.VMEM((4, C), jnp.int32),
        pltpu.VMEM((4, C, 128), jnp.float32),
        pltpu.SemaphoreType.DMA((4,)),
        pltpu.SemaphoreType.DMA((2,)),
        pltpu.SemaphoreType.DMA((2,)),
    ],
    compiler_params=pltpu.CompilerParams(
        use_tc_tiling_on_sc=True, needs_layout_passes=False),
)
def _gather_kernel(xt_hbm, tbl_hbm, p_hbm, idx_v, rows_v, isem, gsem, wsem):
    wid = lax.axis_index("s") * NC + lax.axis_index("c")
    u0 = wid * UPW

    def stage(i):
        u = u0 + i
        t = u // SB
        s0 = (u % SB) * C
        return pltpu.make_async_copy(
            xt_hbm.at[t, pl.ds(s0, C)], idx_v.at[i % 4], isem.at[i % 4])

    def gather(i):
        return pltpu.make_async_copy(
            tbl_hbm.at[idx_v.at[i % 4]], rows_v.at[i % 4], gsem.at[i % 2])

    def write(i):
        u = u0 + i
        t = u // SB
        s0 = (u % SB) * C
        return pltpu.make_async_copy(
            rows_v.at[i % 4],
            p_hbm.at[t, pl.ds(s0, C), :], wsem.at[i % 2])

    for i in range(4):
        stage(i).start()
    stage(0).wait()
    gather(0).start()
    stage(1).wait()
    gather(1).start()

    def body(i, carry):
        gather(i).wait()

        @pl.when(i >= 2)
        def _():
            write(i - 2).wait()

        write(i).start()

        @pl.when(i + 4 < UPW)
        def _():
            stage(i + 4).start()

        @pl.when(i + 2 < UPW)
        def _():
            stage(i + 2).wait()
            gather(i + 2).start()

        return carry

    lax.fori_loop(0, UPW, body, 0)
    write(UPW - 2).wait()
    write(UPW - 1).wait()


def kernel(x, table):
    xt = x.T
    tblpad = jnp.pad(table, ((0, 0), (0, 64)))
    p = _gather_kernel(xt, tblpad)
    return jnp.swapaxes(p[:, :, :D], 0, 1)

# --- scband reference (transcript-rebuilt; emitter-appended) ---
"""Pipeline reference for scband-embedder-17609365914227 (READ-ONLY COPY).

The authoritative reference and input builder live on the scoring server;
editing this copy changes nothing except your own understanding.
"""

import jax, jax.numpy as jnp
import numpy as np

TOKEN_SIZE = 1000000
D_MODEL = 64

def setup_inputs(seed: int = 0) -> dict:
    key = jax.random.key(seed)
    k1, k2 = jax.random.split(key)
    x = jax.random.randint(k1, (4096, 200), 0, TOKEN_SIZE, dtype=jnp.int64 if jax.config.jax_enable_x64 else jnp.int32)
    table = jax.random.normal(k2, (TOKEN_SIZE, D_MODEL), dtype=jnp.float32)
    return {"x": x, "table": table}

def reference(x, table):
    # torch.nn.Embedding forward: gather rows of the table by index
    return jnp.take(table, x, axis=0)

if __name__ == "__main__":
    import jax
    _d = setup_inputs()
    print(jax.jit(kernel)(*tuple(_d.values())))

</pallas_src>

<mosaic_0001>
#map = affine_map<(d0, d1) -> (0, 0)>
#map1 = affine_map<(d0, d1) -> (0, 0, 0)>
module attributes {stable_mosaic.version = 14 : i64} {
  func.func @_gather_kernel(%arg0: i32, %arg1: i32, %arg2: memref<200x4096xi32, #tpu.memory_space<hbm>>, %arg3: memref<1000000x128xf32, #tpu.memory_space<hbm>>, %arg4: memref<200x4096x128xf32, #tpu.memory_space<hbm>>, %arg5: memref<4x128xi32, #tpu.memory_space<vmem>>, %arg6: memref<4x128x128xf32, #tpu.memory_space<vmem>>, %arg7: memref<4x!tpu.dma_semaphore, #tpu.memory_space<semaphore_mem>>, %arg8: memref<2x!tpu.dma_semaphore, #tpu.memory_space<semaphore_mem>>, %arg9: memref<2x!tpu.dma_semaphore, #tpu.memory_space<semaphore_mem>>) attributes {dimension_semantics = [#tpu.dimension_semantics<core_parallel>, #tpu.dimension_semantics<subcore_parallel>], iteration_bounds = array<i64: 2, 16>, scalar_prefetch = 0 : i64, scratch_operands = 5 : i64, tpu.core_type = #tpu.core_type<sc_vector_subcore>, window_params = [{transform_indices = #map}, {transform_indices = #map}, {transform_indices = #map1}]} {
    %mul3A = arith.constant 2 : i32
    %mul3A_0 = arith.muli %arg1, %mul3A : i32
    %add3A = arith.addi %mul3A_0, %arg0 : i32
    %mul3A_1 = arith.constant 200 : i32
    %mul3A_2 = arith.muli %add3A, %mul3A_1 : i32
    %add3A_3 = arith.constant 0 : i32
    %add3A_4 = arith.addi %mul3A_2, %add3A_3 : i32
    %jit3A = arith.constant 32 : i32
    %div3A = arith.divsi %add3A_4, %jit3A : i32
    %sign3A = arith.constant 0 : i32
    %sign3A_5 = arith.cmpi sgt, %add3A_4, %sign3A : i32
    %sign3A_6 = arith.extui %sign3A_5 : i1 to i32
    %sign3A_7 = arith.constant 0 : i32
    %sign3A_8 = arith.cmpi slt, %add3A_4, %sign3A_7 : i32
    %sign3A_9 = arith.extui %sign3A_8 : i1 to i32
    %sign3A_10 = arith.subi %sign3A_6, %sign3A_9 : i32
    %sign3A_11 = arith.constant 0 : i32
    %sign3A_12 = arith.cmpi sgt, %jit3A, %sign3A_11 : i32
    %sign3A_13 = arith.extui %sign3A_12 : i1 to i32
    %sign3A_14 = arith.constant 0 : i32
    %sign3A_15 = arith.cmpi slt, %jit3A, %sign3A_14 : i32
    %sign3A_16 = arith.extui %sign3A_15 : i1 to i32
    %sign3A_17 = arith.subi %sign3A_13, %sign3A_16 : i32
    %ne3A = arith.cmpi ne, %sign3A_10, %sign3A_17 : i32
    %rem3A = arith.remsi %add3A_4, %jit3A : i32
    %ne3A_18 = arith.constant 0 : i32
    %ne3A_19 = arith.cmpi ne, %rem3A, %ne3A_18 : i32
    %and3A = arith.andi %ne3A, %ne3A_19 : i1
    %sub3A = arith.constant 1 : i32
    %sub3A_20 = arith.subi %div3A, %sub3A : i32
    %select_n3A = arith.select %and3A, %sub3A_20, %div3A : i32
    %jit3A_21 = arith.constant 32 : i32
    %eq3A = arith.constant 0 : i32
    %eq3A_22 = arith.cmpi eq, %jit3A_21, %eq3A : i32
    %jit3A_23 = arith.constant 1 : i32
    %select_n3A_24 = arith.select %eq3A_22, %jit3A_23, %jit3A_21 : i32
    %rem3A_25 = arith.remsi %add3A_4, %select_n3A_24 : i32
    %ne3A_26 = arith.constant 0 : i32
    %ne3A_27 = arith.cmpi ne, %rem3A_25, %ne3A_26 : i32
    %lt3A = arith.constant 0 : i32
    %lt3A_28 = arith.cmpi slt, %rem3A_25, %lt3A : i32
    %lt3A_29 = arith.constant 0 : i32
    %lt3A_30 = arith.cmpi slt, %select_n3A_24, %lt3A_29 : i32
    %ne3A_31 = arith.xori %lt3A_28, %lt3A_30 : i1
    %and3A_32 = arith.andi %ne3A_31, %ne3A_27 : i1
    %add3A_33 = arith.addi %rem3A_25, %select_n3A_24 : i32
    %select_n3A_34 = arith.select %and3A_32, %add3A_33, %rem3A_25 : i32
    %mul3A_35 = arith.constant 128 : i32
    %mul3A_36 = arith.muli %select_n3A_34, %mul3A_35 : i32
    %dma_start3A = arith.constant 0 : i32
    %dma_start3A_37 = arith.constant 0 : i32
    %dma_start3A_38 = arith.constant 0 : i32
    %dma_start3A_39 = tpu.memref_slice %arg5[%dma_start3A, %dma_start3A_38] : memref<4x128xi32, #tpu.memory_space<vmem>> -> memref<1x128xi32, #tpu.memory_space<vmem>>
    %dma_start3A_40 = tpu.memref_squeeze %dma_start3A_39 : memref<1x128xi32, #tpu.memory_space<vmem>> -> memref<128xi32, #tpu.memory_space<vmem>>
    %dma_start3A_41 = tpu.memref_slice %arg2[%select_n3A, %mul3A_36] : memref<200x4096xi32, #tpu.memory_space<hbm>> -> memref<1x128xi32, #tpu.memory_space<hbm>>
    %dma_start3A_42 = tpu.memref_squeeze %dma_start3A_41 : memref<1x128xi32, #tpu.memory_space<hbm>> -> memref<128xi32, #tpu.memory_space<hbm>>
    %dma_start3A_43 = tpu.memref_slice %arg7[%dma_start3A_37] : memref<4x!tpu.dma_semaphore, #tpu.memory_space<semaphore_mem>> -> memref<1x!tpu.dma_semaphore, #tpu.memory_space<semaphore_mem>>
    %dma_start3A_44 = tpu.memref_squeeze %dma_start3A_43 : memref<1x!tpu.dma_semaphore, #tpu.memory_space<semaphore_mem>> -> memref<!tpu.dma_semaphore, #tpu.memory_space<semaphore_mem>>
    %dma_start3A_45 = arith.constant 0 : i32
    %dma_start3A_46 = tpu.memref_slice %arg5[%dma_start3A, %dma_start3A_45] : memref<4x128xi32, #tpu.memory_space<vmem>> -> memref<1x128xi32, #tpu.memory_space<vmem>>
    %dma_start3A_47 = tpu.memref_squeeze %dma_start3A_46 : memref<1x128xi32, #tpu.memory_space<vmem>> -> memref<128xi32, #tpu.memory_space<vmem>>
    %dma_start3A_48 = tpu.memref_slice %arg2[%select_n3A, %mul3A_36] : memref<200x4096xi32, #tpu.memory_space<hbm>> -> memref<1x128xi32, #tpu.memory_space<hbm>>
    %dma_start3A_49 = tpu.memref_squeeze %dma_start3A_48 : memref<1x128xi32, #tpu.memory_space<hbm>> -> memref<128xi32, #tpu.memory_space<hbm>>
    tpu.enqueue_dma source(%dma_start3A_49 : memref<128xi32, #tpu.memory_space<hbm>>) target(%dma_start3A_47 : memref<128xi32, #tpu.memory_space<vmem>>) target_semaphore(%dma_start3A_44 : memref<!tpu.dma_semaphore, #tpu.memory_space<semaphore_mem>>)
    %add3A_50 = arith.constant 1 : i32
    %add3A_51 = arith.addi %mul3A_2, %add3A_50 : i32
    %jit3A_52 = arith.constant 32 : i32
    %div3A_53 = arith.divsi %add3A_51, %jit3A_52 : i32
    %sign3A_54 = arith.constant 0 : i32
    %sign3A_55 = arith.cmpi sgt, %add3A_51, %sign3A_54 : i32
    %sign3A_56 = arith.extui %sign3A_55 : i1 to i32
    %sign3A_57 = arith.constant 0 : i32
    %sign3A_58 = arith.cmpi slt, %add3A_51, %sign3A_57 : i32
    %sign3A_59 = arith.extui %sign3A_58 : i1 to i32
    %sign3A_60 = arith.subi %sign3A_56, %sign3A_59 : i32
    %sign3A_61 = arith.constant 0 : i32
    %sign3A_62 = arith.cmpi sgt, %jit3A_52, %sign3A_61 : i32
    %sign3A_63 = arith.extui %sign3A_62 : i1 to i32
    %sign3A_64 = arith.constant 0 : i32
    %sign3A_65 = arith.cmpi slt, %jit3A_52, %sign3A_64 : i32
    %sign3A_66 = arith.extui %sign3A_65 : i1 to i32
    %sign3A_67 = arith.subi %sign3A_63, %sign3A_66 : i32
    %ne3A_68 = arith.cmpi ne, %sign3A_60, %sign3A_67 : i32
    %rem3A_69 = arith.remsi %add3A_51, %jit3A_52 : i32
    %ne3A_70 = arith.constant 0 : i32
    %ne3A_71 = arith.cmpi ne, %rem3A_69, %ne3A_70 : i32
    %and3A_72 = arith.andi %ne3A_68, %ne3A_71 : i1
    %sub3A_73 = arith.constant 1 : i32
    %sub3A_74 = arith.subi %div3A_53, %sub3A_73 : i32
    %select_n3A_75 = arith.select %and3A_72, %sub3A_74, %div3A_53 : i32
    %jit3A_76 = arith.constant 32 : i32
    %eq3A_77 = arith.constant 0 : i32
    %eq3A_78 = arith.cmpi eq, %jit3A_76, %eq3A_77 : i32
    %jit3A_79 = arith.constant 1 : i32
    %select_n3A_80 = arith.select %eq3A_78, %jit3A_79, %jit3A_76 : i32
    %rem3A_81 = arith.remsi %add3A_51, %select_n3A_80 : i32
    %ne3A_82 = arith.constant 0 : i32
    %ne3A_83 = arith.cmpi ne, %rem3A_81, %ne3A_82 : i32
    %lt3A_84 = arith.constant 0 : i32
    %lt3A_85 = arith.cmpi slt, %rem3A_81, %lt3A_84 : i32
    %lt3A_86 = arith.constant 0 : i32
    %lt3A_87 = arith.cmpi slt, %select_n3A_80, %lt3A_86 : i32
    %ne3A_88 = arith.xori %lt3A_85, %lt3A_87 : i1
    %and3A_89 = arith.andi %ne3A_88, %ne3A_83 : i1
    %add3A_90 = arith.addi %rem3A_81, %select_n3A_80 : i32
    %select_n3A_91 = arith.select %and3A_89, %add3A_90, %rem3A_81 : i32
    %mul3A_92 = arith.constant 128 : i32
    %mul3A_93 = arith.muli %select_n3A_91, %mul3A_92 : i32
    %dma_start3A_94 = arith.constant 1 : i32
    %dma_start3A_95 = arith.constant 1 : i32
    %dma_start3A_96 = arith.constant 0 : i32
    %dma_start3A_97 = tpu.memref_slice %arg5[%dma_start3A_94, %dma_start3A_96] : memref<4x128xi32, #tpu.memory_space<vmem>> -> memref<1x128xi32, #tpu.memory_space<vmem>>
    %dma_start3A_98 = tpu.memref_squeeze %dma_start3A_97 : memref<1x128xi32, #tpu.memory_space<vmem>> -> memref<128xi32, #tpu.memory_space<vmem>>
    %dma_start3A_99 = tpu.memref_slice %arg2[%select_n3A_75, %mul3A_93] : memref<200x4096xi32, #tpu.memory_space<hbm>> -> memref<1x128xi32, #tpu.memory_space<hbm>>
    %dma_start3A_100 = tpu.memref_squeeze %dma_start3A_99 : memref<1x128xi32, #tpu.memory_space<hbm>> -> memref<128xi32, #tpu.memory_space<hbm>>
    %dma_start3A_101 = tpu.memref_slice %arg7[%dma_start3A_95] : memref<4x!tpu.dma_semaphore, #tpu.memory_space<semaphore_mem>> -> memref<1x!tpu.dma_semaphore, #tpu.memory_space<semaphore_mem>>
    %dma_start3A_102 = tpu.memref_squeeze %dma_start3A_101 : memref<1x!tpu.dma_semaphore, #tpu.memory_space<semaphore_mem>> -> memref<!tpu.dma_semaphore, #tpu.memory_space<semaphore_mem>>
    %dma_start3A_103 = arith.constant 0 : i32
    %dma_start3A_104 = tpu.memref_slice %arg5[%dma_start3A_94, %dma_start3A_103] : memref<4x128xi32, #tpu.memory_space<vmem>> -> memref<1x128xi32, #tpu.memory_space<vmem>>
    %dma_start3A_105 = tpu.memref_squeeze %dma_start3A_104 : memref<1x128xi32, #tpu.memory_space<vmem>> -> memref<128xi32, #tpu.memory_space<vmem>>
    %dma_start3A_106 = tpu.memref_slice %arg2[%select_n3A_75, %mul3A_93] : memref<200x4096xi32, #tpu.memory_space<hbm>> -> memref<1x128xi32, #tpu.memory_space<hbm>>
    %dma_start3A_107 = tpu.memref_squeeze %dma_start3A_106 : memref<1x128xi32, #tpu.memory_space<hbm>> -> memref<128xi32, #tpu.memory_space<hbm>>
    tpu.enqueue_dma source(%dma_start3A_107 : memref<128xi32, #tpu.memory_space<hbm>>) target(%dma_start3A_105 : memref<128xi32, #tpu.memory_space<vmem>>) target_semaphore(%dma_start3A_102 : memref<!tpu.dma_semaphore, #tpu.memory_space<semaphore_mem>>)
    %add3A_108 = arith.constant 2 : i32
    %add3A_109 = arith.addi %mul3A_2, %add3A_108 : i32
    %jit3A_110 = arith.constant 32 : i32
    %div3A_111 = arith.divsi %add3A_109, %jit3A_110 : i32
    %sign3A_112 = arith.constant 0 : i32
    %sign3A_113 = arith.cmpi sgt, %add3A_109, %sign3A_112 : i32
    %sign3A_114 = arith.extui %sign3A_113 : i1 to i32
    %sign3A_115 = arith.constant 0 : i32
    %sign3A_116 = arith.cmpi slt, %add3A_109, %sign3A_115 : i32
    %sign3A_117 = arith.extui %sign3A_116 : i1 to i32
    %sign3A_118 = arith.subi %sign3A_114, %sign3A_117 : i32
    %sign3A_119 = arith.constant 0 : i32
    %sign3A_120 = arith.cmpi sgt, %jit3A_110, %sign3A_119 : i32
    %sign3A_121 = arith.extui %sign3A_120 : i1 to i32
    %sign3A_122 = arith.constant 0 : i32
    %sign3A_123 = arith.cmpi slt, %jit3A_110, %sign3A_122 : i32
    %sign3A_124 = arith.extui %sign3A_123 : i1 to i32
    %sign3A_125 = arith.subi %sign3A_121, %sign3A_124 : i32
    %ne3A_126 = arith.cmpi ne, %sign3A_118, %sign3A_125 : i32
    %rem3A_127 = arith.remsi %add3A_109, %jit3A_110 : i32
    %ne3A_128 = arith.constant 0 : i32
    %ne3A_129 = arith.cmpi ne, %rem3A_127, %ne3A_128 : i32
    %and3A_130 = arith.andi %ne3A_126, %ne3A_129 : i1
    %sub3A_131 = arith.constant 1 : i32
    %sub3A_132 = arith.subi %div3A_111, %sub3A_131 : i32
    %select_n3A_133 = arith.select %and3A_130, %sub3A_132, %div3A_111 : i32
    %jit3A_134 = arith.constant 32 : i32
    %eq3A_135 = arith.constant 0 : i32
    %eq3A_136 = arith.cmpi eq, %jit3A_134, %eq3A_135 : i32
    %jit3A_137 = arith.constant 1 : i32
    %select_n3A_138 = arith.select %eq3A_136, %jit3A_137, %jit3A_134 : i32
    %rem3A_139 = arith.remsi %add3A_109, %select_n3A_138 : i32
    %ne3A_140 = arith.constant 0 : i32
    %ne3A_141 = arith.cmpi ne, %rem3A_139, %ne3A_140 : i32
    %lt3A_142 = arith.constant 0 : i32
    %lt3A_143 = arith.cmpi slt, %rem3A_139, %lt3A_142 : i32
    %lt3A_144 = arith.constant 0 : i32
    %lt3A_145 = arith.cmpi slt, %select_n3A_138, %lt3A_144 : i32
    %ne3A_146 = arith.xori %lt3A_143, %lt3A_145 : i1
    %and3A_147 = arith.andi %ne3A_146, %ne3A_141 : i1
    %add3A_148 = arith.addi %rem3A_139, %select_n3A_138 : i32
    %select_n3A_149 = arith.select %and3A_147, %add3A_148, %rem3A_139 : i32
    %mul3A_150 = arith.constant 128 : i32
    %mul3A_151 = arith.muli %select_n3A_149, %mul3A_150 : i32
    %dma_start3A_152 = arith.constant 2 : i32
    %dma_start3A_153 = arith.constant 2 : i32
    %dma_start3A_154 = arith.constant 0 : i32
    %dma_start3A_155 = tpu.memref_slice %arg5[%dma_start3A_152, %dma_start3A_154] : memref<4x128xi32, #tpu.memory_space<vmem>> -> memref<1x128xi32, #tpu.memory_space<vmem>>
    %dma_start3A_156 = tpu.memref_squeeze %dma_start3A_155 : memref<1x128xi32, #tpu.memory_space<vmem>> -> memref<128xi32, #tpu.memory_space<vmem>>
    %dma_start3A_157 = tpu.memref_slice %arg2[%select_n3A_133, %mul3A_151] : memref<200x4096xi32, #tpu.memory_space<hbm>> -> memref<1x128xi32, #tpu.memory_space<hbm>>
    %dma_start3A_158 = tpu.memref_squeeze %dma_start3A_157 : memref<1x128xi32, #tpu.memory_space<hbm>> -> memref<128xi32, #tpu.memory_space<hbm>>
    %dma_start3A_159 = tpu.memref_slice %arg7[%dma_start3A_153] : memref<4x!tpu.dma_semaphore, #tpu.memory_space<semaphore_mem>> -> memref<1x!tpu.dma_semaphore, #tpu.memory_space<semaphore_mem>>
    %dma_start3A_160 = tpu.memref_squeeze %dma_start3A_159 : memref<1x!tpu.dma_semaphore, #tpu.memory_space<semaphore_mem>> -> memref<!tpu.dma_semaphore, #tpu.memory_space<semaphore_mem>>
    %dma_start3A_161 = arith.constant 0 : i32
    %dma_start3A_162 = tpu.memref_slice %arg5[%dma_start3A_152, %dma_start3A_161] : memref<4x128xi32, #tpu.memory_space<vmem>> -> memref<1x128xi32, #tpu.memory_space<vmem>>
    %dma_start3A_163 = tpu.memref_squeeze %dma_start3A_162 : memref<1x128xi32, #tpu.memory_space<vmem>> -> memref<128xi32, #tpu.memory_space<vmem>>
    %dma_start3A_164 = tpu.memref_slice %arg2[%select_n3A_133, %mul3A_151] : memref<200x4096xi32, #tpu.memory_space<hbm>> -> memref<1x128xi32, #tpu.memory_space<hbm>>
    %dma_start3A_165 = tpu.memref_squeeze %dma_start3A_164 : memref<1x128xi32, #tpu.memory_space<hbm>> -> memref<128xi32, #tpu.memory_space<hbm>>
    tpu.enqueue_dma source(%dma_start3A_165 : memref<128xi32, #tpu.memory_space<hbm>>) target(%dma_start3A_163 : memref<128xi32, #tpu.memory_space<vmem>>) target_semaphore(%dma_start3A_160 : memref<!tpu.dma_semaphore, #tpu.memory_space<semaphore_mem>>)
    %add3A_166 = arith.constant 3 : i32
    %add3A_167 = arith.addi %mul3A_2, %add3A_166 : i32
    %jit3A_168 = arith.constant 32 : i32
    %div3A_169 = arith.divsi %add3A_167, %jit3A_168 : i32
    %sign3A_170 = arith.constant 0 : i32
    %sign3A_171 = arith.cmpi sgt, %add3A_167, %sign3A_170 : i32
    %sign3A_172 = arith.extui %sign3A_171 : i1 to i32
    %sign3A_173 = arith.constant 0 : i32
    %sign3A_174 = arith.cmpi slt, %add3A_167, %sign3A_173 : i32
    %sign3A_175 = arith.extui %sign3A_174 : i1 to i32
    %sign3A_176 = arith.subi %sign3A_172, %sign3A_175 : i32
    %sign3A_177 = arith.constant 0 : i32
    %sign3A_178 = arith.cmpi sgt, %jit3A_168, %sign3A_177 : i32
    %sign3A_179 = arith.extui %sign3A_178 : i1 to i32
    %sign3A_180 = arith.constant 0 : i32
    %sign3A_181 = arith.cmpi slt, %jit3A_168, %sign3A_180 : i32
    %sign3A_182 = arith.extui %sign3A_181 : i1 to i32
    %sign3A_183 = arith.subi %sign3A_179, %sign3A_182 : i32
    %ne3A_184 = arith.cmpi ne, %sign3A_176, %sign3A_183 : i32
    %rem3A_185 = arith.remsi %add3A_167, %jit3A_168 : i32
    %ne3A_186 = arith.constant 0 : i32
    %ne3A_187 = arith.cmpi ne, %rem3A_185, %ne3A_186 : i32
    %and3A_188 = arith.andi %ne3A_184, %ne3A_187 : i1
    %sub3A_189 = arith.constant 1 : i32
    %sub3A_190 = arith.subi %div3A_169, %sub3A_189 : i32
    %select_n3A_191 = arith.select %and3A_188, %sub3A_190, %div3A_169 : i32
    %jit3A_192 = arith.constant 32 : i32
    %eq3A_193 = arith.constant 0 : i32
    %eq3A_194 = arith.cmpi eq, %jit3A_192, %eq3A_193 : i32
    %jit3A_195 = arith.constant 1 : i32
    %select_n3A_196 = arith.select %eq3A_194, %jit3A_195, %jit3A_192 : i32
    %rem3A_197 = arith.remsi %add3A_167, %select_n3A_196 : i32
    %ne3A_198 = arith.constant 0 : i32
    %ne3A_199 = arith.cmpi ne, %rem3A_197, %ne3A_198 : i32
    %lt3A_200 = arith.constant 0 : i32
    %lt3A_201 = arith.cmpi slt, %rem3A_197, %lt3A_200 : i32
    %lt3A_202 = arith.constant 0 : i32
    %lt3A_203 = arith.cmpi slt, %select_n3A_196, %lt3A_202 : i32
    %ne3A_204 = arith.xori %lt3A_201, %lt3A_203 : i1
    %and3A_205 = arith.andi %ne3A_204, %ne3A_199 : i1
    %add3A_206 = arith.addi %rem3A_197, %select_n3A_196 : i32
    %select_n3A_207 = arith.select %and3A_205, %add3A_206, %rem3A_197 : i32
    %mul3A_208 = arith.constant 128 : i32
    %mul3A_209 = arith.muli %select_n3A_207, %mul3A_208 : i32
    %dma_start3A_210 = arith.constant 3 : i32
    %dma_start3A_211 = arith.constant 3 : i32
    %dma_start3A_212 = arith.constant 0 : i32
    %dma_start3A_213 = tpu.memref_slice %arg5[%dma_start3A_210, %dma_start3A_212] : memref<4x128xi32, #tpu.memory_space<vmem>> -> memref<1x128xi32, #tpu.memory_space<vmem>>
    %dma_start3A_214 = tpu.memref_squeeze %dma_start3A_213 : memref<1x128xi32, #tpu.memory_space<vmem>> -> memref<128xi32, #tpu.memory_space<vmem>>
    %dma_start3A_215 = tpu.memref_slice %arg2[%select_n3A_191, %mul3A_209] : memref<200x4096xi32, #tpu.memory_space<hbm>> -> memref<1x128xi32, #tpu.memory_space<hbm>>
    %dma_start3A_216 = tpu.memref_squeeze %dma_start3A_215 : memref<1x128xi32, #tpu.memory_space<hbm>> -> memref<128xi32, #tpu.memory_space<hbm>>
    %dma_start3A_217 = tpu.memref_slice %arg7[%dma_start3A_211] : memref<4x!tpu.dma_semaphore, #tpu.memory_space<semaphore_mem>> -> memref<1x!tpu.dma_semaphore, #tpu.memory_space<semaphore_mem>>
    %dma_start3A_218 = tpu.memref_squeeze %dma_start3A_217 : memref<1x!tpu.dma_semaphore, #tpu.memory_space<semaphore_mem>> -> memref<!tpu.dma_semaphore, #tpu.memory_space<semaphore_mem>>
    %dma_start3A_219 = arith.constant 0 : i32
    %dma_start3A_220 = tpu.memref_slice %arg5[%dma_start3A_210, %dma_start3A_219] : memref<4x128xi32, #tpu.memory_space<vmem>> -> memref<1x128xi32, #tpu.memory_space<vmem>>
    %dma_start3A_221 = tpu.memref_squeeze %dma_start3A_220 : memref<1x128xi32, #tpu.memory_space<vmem>> -> memref<128xi32, #tpu.memory_space<vmem>>
    %dma_start3A_222 = tpu.memref_slice %arg2[%select_n3A_191, %mul3A_209] : memref<200x4096xi32, #tpu.memory_space<hbm>> -> memref<1x128xi32, #tpu.memory_space<hbm>>
    %dma_start3A_223 = tpu.memref_squeeze %dma_start3A_222 : memref<1x128xi32, #tpu.memory_space<hbm>> -> memref<128xi32, #tpu.memory_space<hbm>>
    tpu.enqueue_dma source(%dma_start3A_223 : memref<128xi32, #tpu.memory_space<hbm>>) target(%dma_start3A_221 : memref<128xi32, #tpu.memory_space<vmem>>) target_semaphore(%dma_start3A_218 : memref<!tpu.dma_semaphore, #tpu.memory_space<semaphore_mem>>)
    %add3A_224 = arith.constant 0 : i32
    %add3A_225 = arith.addi %mul3A_2, %add3A_224 : i32
    %jit3A_226 = arith.constant 32 : i32
    %div3A_227 = arith.divsi %add3A_225, %jit3A_226 : i32
    %sign3A_228 = arith.constant 0 : i32
    %sign3A_229 = arith.cmpi sgt, %add3A_225, %sign3A_228 : i32
    %sign3A_230 = arith.extui %sign3A_229 : i1 to i32
    %sign3A_231 = arith.constant 0 : i32
    %sign3A_232 = arith.cmpi slt, %add3A_225, %sign3A_231 : i32
    %sign3A_233 = arith.extui %sign3A_232 : i1 to i32
    %sign3A_234 = arith.subi %sign3A_230, %sign3A_233 : i32
    %sign3A_235 = arith.constant 0 : i32
    %sign3A_236 = arith.cmpi sgt, %jit3A_226, %sign3A_235 : i32
    %sign3A_237 = arith.extui %sign3A_236 : i1 to i32
    %sign3A_238 = arith.constant 0 : i32
    %sign3A_239 = arith.cmpi slt, %jit3A_226, %sign3A_238 : i32
    %sign3A_240 = arith.extui %sign3A_239 : i1 to i32
    %sign3A_241 = arith.subi %sign3A_237, %sign3A_240 : i32
    %ne3A_242 = arith.cmpi ne, %sign3A_234, %sign3A_241 : i32
    %rem3A_243 = arith.remsi %add3A_225, %jit3A_226 : i32
    %ne3A_244 = arith.constant 0 : i32
    %ne3A_245 = arith.cmpi ne, %rem3A_243, %ne3A_244 : i32
    %and3A_246 = arith.andi %ne3A_242, %ne3A_245 : i1
    %sub3A_247 = arith.constant 1 : i32
    %sub3A_248 = arith.subi %div3A_227, %sub3A_247 : i32
    %select_n3A_249 = arith.select %and3A_246, %sub3A_248, %div3A_227 : i32
    %jit3A_250 = arith.constant 32 : i32
    %eq3A_251 = arith.constant 0 : i32
    %eq3A_252 = arith.cmpi eq, %jit3A_250, %eq3A_251 : i32
    %jit3A_253 = arith.constant 1 : i32
    %select_n3A_254 = arith.select %eq3A_252, %jit3A_253, %jit3A_250 : i32
    %rem3A_255 = arith.remsi %add3A_225, %select_n3A_254 : i32
    %ne3A_256 = arith.constant 0 : i32
    %ne3A_257 = arith.cmpi ne, %rem3A_255, %ne3A_256 : i32
    %lt3A_258 = arith.constant 0 : i32
    %lt3A_259 = arith.cmpi slt, %rem3A_255, %lt3A_258 : i32
    %lt3A_260 = arith.constant 0 : i32
    %lt3A_261 = arith.cmpi slt, %select_n3A_254, %lt3A_260 : i32
    %ne3A_262 = arith.xori %lt3A_259, %lt3A_261 : i1
    %and3A_263 = arith.andi %ne3A_262, %ne3A_257 : i1
    %add3A_264 = arith.addi %rem3A_255, %select_n3A_254 : i32
    %select_n3A_265 = arith.select %and3A_263, %add3A_264, %rem3A_255 : i32
    %mul3A_266 = arith.constant 128 : i32
    %mul3A_267 = arith.muli %select_n3A_265, %mul3A_266 : i32
    %dma_wait3A = arith.constant 0 : i32
    %dma_wait3A_268 = arith.constant 0 : i32
    %dma_wait3A_269 = arith.constant 0 : i32
    %dma_wait3A_270 = tpu.memref_slice %arg5[%dma_wait3A, %dma_wait3A_269] : memref<4x128xi32, #tpu.memory_space<vmem>> -> memref<1x128xi32, #tpu.memory_space<vmem>>
    %dma_wait3A_271 = tpu.memref_squeeze %dma_wait3A_270 : memref<1x128xi32, #tpu.memory_space<vmem>> -> memref<128xi32, #tpu.memory_space<vmem>>
    %dma_wait3A_272 = tpu.memref_slice %arg2[%select_n3A_249, %mul3A_267] : memref<200x4096xi32, #tpu.memory_space<hbm>> -> memref<1x128xi32, #tpu.memory_space<hbm>>
    %dma_wait3A_273 = tpu.memref_squeeze %dma_wait3A_272 : memref<1x128xi32, #tpu.memory_space<hbm>> -> memref<128xi32, #tpu.memory_space<hbm>>
    %dma_wait3A_274 = tpu.memref_slice %arg7[%dma_wait3A_268] : memref<4x!tpu.dma_semaphore, #tpu.memory_space<semaphore_mem>> -> memref<1x!tpu.dma_semaphore, #tpu.memory_space<semaphore_mem>>
    %dma_wait3A_275 = tpu.memref_squeeze %dma_wait3A_274 : memref<1x!tpu.dma_semaphore, #tpu.memory_space<semaphore_mem>> -> memref<!tpu.dma_semaphore, #tpu.memory_space<semaphore_mem>>
    %dma_wait3A_276 = arith.constant 0 : i32
    %dma_wait3A_277 = tpu.memref_slice %arg5[%dma_wait3A, %dma_wait3A_276] : memref<4x128xi32, #tpu.memory_space<vmem>> -> memref<1x128xi32, #tpu.memory_space<vmem>>
    %dma_wait3A_278 = tpu.memref_squeeze %dma_wait3A_277 : memref<1x128xi32, #tpu.memory_space<vmem>> -> memref<128xi32, #tpu.memory_space<vmem>>
    %dma_wait3A_279 = tpu.memref_slice %arg2[%select_n3A_249, %mul3A_267] : memref<200x4096xi32, #tpu.memory_space<hbm>> -> memref<1x128xi32, #tpu.memory_space<hbm>>
    %dma_wait3A_280 = tpu.memref_squeeze %dma_wait3A_279 : memref<1x128xi32, #tpu.memory_space<hbm>> -> memref<128xi32, #tpu.memory_space<hbm>>
    tpu.wait_dma2 semaphore(%dma_wait3A_275 : memref<!tpu.dma_semaphore, #tpu.memory_space<semaphore_mem>>) src(%dma_wait3A_280 : memref<128xi32, #tpu.memory_space<hbm>>) dst(%dma_wait3A_278 : memref<128xi32, #tpu.memory_space<vmem>>)
    %dma_start3A_281 = arith.constant 0 : i32
    %dma_start3A_282 = arith.constant 0 : i32
    %dma_start3A_283 = arith.constant 0 : i32
    %dma_start3A_284 = arith.constant 0 : i32
    %dma_start3A_285 = arith.constant 0 : i32
    %dma_start3A_286 = tpu.memref_slice %arg6[%dma_start3A_282, %dma_start3A_284, %dma_start3A_285] : memref<4x128x128xf32, #tpu.memory_space<vmem>> -> memref<1x128x128xf32, #tpu.memory_space<vmem>>
    %dma_start3A_287 = tpu.memref_squeeze %dma_start3A_286 : memref<1x128x128xf32, #tpu.memory_space<vmem>> -> memref<128x128xf32, #tpu.memory_space<vmem>>
    %dma_start3A_288 = arith.constant 0 : i32
    %dma_start3A_289 = tpu.memref_slice %arg5[%dma_start3A_281, %dma_start3A_288] : memref<4x128xi32, #tpu.memory_space<vmem>> -> memref<1x128xi32, #tpu.memory_space<vmem>>
    %dma_start3A_290 = tpu.memref_squeeze %dma_start3A_289 : memref<1x128xi32, #tpu.memory_space<vmem>> -> memref<128xi32, #tpu.memory_space<vmem>>
    %dma_start3A_291 = arith.constant 0 : i32
    %dma_start3A_292 = arith.constant 0 : i32
    %dma_start3A_293 = tpu.memref_slice %arg3[%dma_start3A_291, %dma_start3A_292] : memref<1000000x128xf32, #tpu.memory_space<hbm>> -> memref<1000000x128xf32, #tpu.memory_space<hbm>>
    %dma_start3A_294 = tpu.memref_slice %arg8[%dma_start3A_283] : memref<2x!tpu.dma_semaphore, #tpu.memory_space<semaphore_mem>> -> memref<1x!tpu.dma_semaphore, #tpu.memory_space<semaphore_mem>>
    %dma_start3A_295 = tpu.memref_squeeze %dma_start3A_294 : memref<1x!tpu.dma_semaphore, #tpu.memory_space<semaphore_mem>> -> memref<!tpu.dma_semaphore, #tpu.memory_space<semaphore_mem>>
    tpu.enqueue_indirect_dma source(%dma_start3A_293 : memref<1000000x128xf32, #tpu.memory_space<hbm>>) target(%dma_start3A_287 : memref<128x128xf32, #tpu.memory_space<vmem>>) offsets(%dma_start3A_290 : memref<128xi32, #tpu.memory_space<vmem>>) semaphore(%dma_start3A_295 : memref<!tpu.dma_semaphore, #tpu.memory_space<semaphore_mem>>)
    %add3A_296 = arith.constant 1 : i32
    %add3A_297 = arith.addi %mul3A_2, %add3A_296 : i32
    %jit3A_298 = arith.constant 32 : i32
    %div3A_299 = arith.divsi %add3A_297, %jit3A_298 : i32
    %sign3A_300 = arith.constant 0 : i32
    %sign3A_301 = arith.cmpi sgt, %add3A_297, %sign3A_300 : i32
    %sign3A_302 = arith.extui %sign3A_301 : i1 to i32
    %sign3A_303 = arith.constant 0 : i32
    %sign3A_304 = arith.cmpi slt, %add3A_297, %sign3A_303 : i32
    %sign3A_305 = arith.extui %sign3A_304 : i1 to i32
    %sign3A_306 = arith.subi %sign3A_302, %sign3A_305 : i32
    %sign3A_307 = arith.constant 0 : i32
    %sign3A_308 = arith.cmpi sgt, %jit3A_298, %sign3A_307 : i32
    %sign3A_309 = arith.extui %sign3A_308 : i1 to i32
    %sign3A_310 = arith.constant 0 : i32
    %sign3A_311 = arith.cmpi slt, %jit3A_298, %sign3A_310 : i32
    %sign3A_312 = arith.extui %sign3A_311 : i1 to i32
    %sign3A_313 = arith.subi %sign3A_309, %sign3A_312 : i32
    %ne3A_314 = arith.cmpi ne, %sign3A_306, %sign3A_313 : i32
    %rem3A_315 = arith.remsi %add3A_297, %jit3A_298 : i32
    %ne3A_316 = arith.constant 0 : i32
    %ne3A_317 = arith.cmpi ne, %rem3A_315, %ne3A_316 : i32
    %and3A_318 = arith.andi %ne3A_314, %ne3A_317 : i1
    %sub3A_319 = arith.constant 1 : i32
    %sub3A_320 = arith.subi %div3A_299, %sub3A_319 : i32
    %select_n3A_321 = arith.select %and3A_318, %sub3A_320, %div3A_299 : i32
    %jit3A_322 = arith.constant 32 : i32
    %eq3A_323 = arith.constant 0 : i32
    %eq3A_324 = arith.cmpi eq, %jit3A_322, %eq3A_323 : i32
    %jit3A_325 = arith.constant 1 : i32
    %select_n3A_326 = arith.select %eq3A_324, %jit3A_325, %jit3A_322 : i32
    %rem3A_327 = arith.remsi %add3A_297, %select_n3A_326 : i32
    %ne3A_328 = arith.constant 0 : i32
    %ne3A_329 = arith.cmpi ne, %rem3A_327, %ne3A_328 : i32
    %lt3A_330 = arith.constant 0 : i32
    %lt3A_331 = arith.cmpi slt, %rem3A_327, %lt3A_330 : i32
    %lt3A_332 = arith.constant 0 : i32
    %lt3A_333 = arith.cmpi slt, %select_n3A_326, %lt3A_332 : i32
    %ne3A_334 = arith.xori %lt3A_331, %lt3A_333 : i1
    %and3A_335 = arith.andi %ne3A_334, %ne3A_329 : i1
    %add3A_336 = arith.addi %rem3A_327, %select_n3A_326 : i32
    %select_n3A_337 = arith.select %and3A_335, %add3A_336, %rem3A_327 : i32
    %mul3A_338 = arith.constant 128 : i32
    %mul3A_339 = arith.muli %select_n3A_337, %mul3A_338 : i32
    %dma_wait3A_340 = arith.constant 1 : i32
    %dma_wait3A_341 = arith.constant 1 : i32
    %dma_wait3A_342 = arith.constant 0 : i32
    %dma_wait3A_343 = tpu.memref_slice %arg5[%dma_wait3A_340, %dma_wait3A_342] : memref<4x128xi32, #tpu.memory_space<vmem>> -> memref<1x128xi32, #tpu.memory_space<vmem>>
    %dma_wait3A_344 = tpu.memref_squeeze %dma_wait3A_343 : memref<1x128xi32, #tpu.memory_space<vmem>> -> memref<128xi32, #tpu.memory_space<vmem>>
    %dma_wait3A_345 = tpu.memref_slice %arg2[%select_n3A_321, %mul3A_339] : memref<200x4096xi32, #tpu.memory_space<hbm>> -> memref<1x128xi32, #tpu.memory_space<hbm>>
    %dma_wait3A_346 = tpu.memref_squeeze %dma_wait3A_345 : memref<1x128xi32, #tpu.memory_space<hbm>> -> memref<128xi32, #tpu.memory_space<hbm>>
    %dma_wait3A_347 = tpu.memref_slice %arg7[%dma_wait3A_341] : memref<4x!tpu.dma_semaphore, #tpu.memory_space<semaphore_mem>> -> memref<1x!tpu.dma_semaphore, #tpu.memory_space<semaphore_mem>>
    %dma_wait3A_348 = tpu.memref_squeeze %dma_wait3A_347 : memref<1x!tpu.dma_semaphore, #tpu.memory_space<semaphore_mem>> -> memref<!tpu.dma_semaphore, #tpu.memory_space<semaphore_mem>>
    %dma_wait3A_349 = arith.constant 0 : i32
    %dma_wait3A_350 = tpu.memref_slice %arg5[%dma_wait3A_340, %dma_wait3A_349] : memref<4x128xi32, #tpu.memory_space<vmem>> -> memref<1x128xi32, #tpu.memory_space<vmem>>
    %dma_wait3A_351 = tpu.memref_squeeze %dma_wait3A_350 : memref<1x128xi32, #tpu.memory_space<vmem>> -> memref<128xi32, #tpu.memory_space<vmem>>
    %dma_wait3A_352 = tpu.memref_slice %arg2[%select_n3A_321, %mul3A_339] : memref<200x4096xi32, #tpu.memory_space<hbm>> -> memref<1x128xi32, #tpu.memory_space<hbm>>
    %dma_wait3A_353 = tpu.memref_squeeze %dma_wait3A_352 : memref<1x128xi32, #tpu.memory_space<hbm>> -> memref<128xi32, #tpu.memory_space<hbm>>
    tpu.wait_dma2 semaphore(%dma_wait3A_348 : memref<!tpu.dma_semaphore, #tpu.memory_space<semaphore_mem>>) src(%dma_wait3A_353 : memref<128xi32, #tpu.memory_space<hbm>>) dst(%dma_wait3A_351 : memref<128xi32, #tpu.memory_space<vmem>>)
    %dma_start3A_354 = arith.constant 1 : i32
    %dma_start3A_355 = arith.constant 1 : i32
    %dma_start3A_356 = arith.constant 1 : i32
    %dma_start3A_357 = arith.constant 0 : i32
    %dma_start3A_358 = arith.constant 0 : i32
    %dma_start3A_359 = tpu.memref_slice %arg6[%dma_start3A_355, %dma_start3A_357, %dma_start3A_358] : memref<4x128x128xf32, #tpu.memory_space<vmem>> -> memref<1x128x128xf32, #tpu.memory_space<vmem>>
    %dma_start3A_360 = tpu.memref_squeeze %dma_start3A_359 : memref<1x128x128xf32, #tpu.memory_space<vmem>> -> memref<128x128xf32, #tpu.memory_space<vmem>>
    %dma_start3A_361 = arith.constant 0 : i32
    %dma_start3A_362 = tpu.memref_slice %arg5[%dma_start3A_354, %dma_start3A_361] : memref<4x128xi32, #tpu.memory_space<vmem>> -> memref<1x128xi32, #tpu.memory_space<vmem>>
    %dma_start3A_363 = tpu.memref_squeeze %dma_start3A_362 : memref<1x128xi32, #tpu.memory_space<vmem>> -> memref<128xi32, #tpu.memory_space<vmem>>
    %dma_start3A_364 = arith.constant 0 : i32
    %dma_start3A_365 = arith.constant 0 : i32
    %dma_start3A_366 = tpu.memref_slice %arg3[%dma_start3A_364, %dma_start3A_365] : memref<1000000x128xf32, #tpu.memory_space<hbm>> -> memref<1000000x128xf32, #tpu.memory_space<hbm>>
    %dma_start3A_367 = tpu.memref_slice %arg8[%dma_start3A_356] : memref<2x!tpu.dma_semaphore, #tpu.memory_space<semaphore_mem>> -> memref<1x!tpu.dma_semaphore, #tpu.memory_space<semaphore_mem>>
    %dma_start3A_368 = tpu.memref_squeeze %dma_start3A_367 : memref<1x!tpu.dma_semaphore, #tpu.memory_space<semaphore_mem>> -> memref<!tpu.dma_semaphore, #tpu.memory_space<semaphore_mem>>
    tpu.enqueue_indirect_dma source(%dma_start3A_366 : memref<1000000x128xf32, #tpu.memory_space<hbm>>) target(%dma_start3A_360 : memref<128x128xf32, #tpu.memory_space<vmem>>) offsets(%dma_start3A_363 : memref<128xi32, #tpu.memory_space<vmem>>) semaphore(%dma_start3A_368 : memref<!tpu.dma_semaphore, #tpu.memory_space<semaphore_mem>>)
    %scan3A = arith.constant 0 : i32
    %scan3A_369 = arith.constant 0 : i32
    %scan3A_370 = arith.constant 200 : i32
    %scan3A_371 = arith.addi %scan3A_369, %scan3A_370 : i32
    %scan3A_372 = arith.constant 1 : i32
    scf.for %scan3A_498 = %scan3A_369 to %scan3A_371 step %scan3A_372  : i32 {
      %jit3A_499 = arith.constant 4 : i32
      %eq3A_500 = arith.constant 0 : i32
      %eq3A_501 = arith.cmpi eq, %jit3A_499, %eq3A_500 : i32
      %jit3A_502 = arith.constant 1 : i32
      %select_n3A_503 = arith.select %eq3A_501, %jit3A_502, %jit3A_499 : i32
      %rem3A_504 = arith.remsi %scan3A_498, %select_n3A_503 : i32
      %ne3A_505 = arith.constant 0 : i32
      %ne3A_506 = arith.cmpi ne, %rem3A_504, %ne3A_505 : i32
      %lt3A_507 = arith.constant 0 : i32
      %lt3A_508 = arith.cmpi slt, %rem3A_504, %lt3A_507 : i32
      %lt3A_509 = arith.constant 0 : i32
      %lt3A_510 = arith.cmpi slt, %select_n3A_503, %lt3A_509 : i32
      %ne3A_511 = arith.xori %lt3A_508, %lt3A_510 : i1
      %and3A_512 = arith.andi %ne3A_511, %ne3A_506 : i1
      %add3A_513 = arith.addi %rem3A_504, %select_n3A_503 : i32
      %select_n3A_514 = arith.select %and3A_512, %add3A_513, %rem3A_504 : i32
      %jit3A_515 = arith.constant 4 : i32
      %eq3A_516 = arith.constant 0 : i32
      %eq3A_517 = arith.cmpi eq, %jit3A_515, %eq3A_516 : i32
      %jit3A_518 = arith.constant 1 : i32
      %select_n3A_519 = arith.select %eq3A_517, %jit3A_518, %jit3A_515 : i32
      %rem3A_520 = arith.remsi %scan3A_498, %select_n3A_519 : i32
      %ne3A_521 = arith.constant 0 : i32
      %ne3A_522 = arith.cmpi ne, %rem3A_520, %ne3A_521 : i32
      %lt3A_523 = arith.constant 0 : i32
      %lt3A_524 = arith.cmpi slt, %rem3A_520, %lt3A_523 : i32
      %lt3A_525 = arith.constant 0 : i32
      %lt3A_526 = arith.cmpi slt, %select_n3A_519, %lt3A_525 : i32
      %ne3A_527 = arith.xori %lt3A_524, %lt3A_526 : i1
      %and3A_528 = arith.andi %ne3A_527, %ne3A_522 : i1
      %add3A_529 = arith.addi %rem3A_520, %select_n3A_519 : i32
      %select_n3A_530 = arith.select %and3A_528, %add3A_529, %rem3A_520 : i32
      %jit3A_531 = arith.constant 2 : i32
      %eq3A_532 = arith.constant 0 : i32
      %eq3A_533 = arith.cmpi eq, %jit3A_531, %eq3A_532 : i32
      %jit3A_534 = arith.constant 1 : i32
      %select_n3A_535 = arith.select %eq3A_533, %jit3A_534, %jit3A_531 : i32
      %rem3A_536 = arith.remsi %scan3A_498, %select_n3A_535 : i32
      %ne3A_537 = arith.constant 0 : i32
      %ne3A_538 = arith.cmpi ne, %rem3A_536, %ne3A_537 : i32
      %lt3A_539 = arith.constant 0 : i32
      %lt3A_540 = arith.cmpi slt, %rem3A_536, %lt3A_539 : i32
      %lt3A_541 = arith.constant 0 : i32
      %lt3A_542 = arith.cmpi slt, %select_n3A_535, %lt3A_541 : i32
      %ne3A_543 = arith.xori %lt3A_540, %lt3A_542 : i1
      %and3A_544 = arith.andi %ne3A_543, %ne3A_538 : i1
      %add3A_545 = arith.addi %rem3A_536, %select_n3A_535 : i32
      %select_n3A_546 = arith.select %and3A_544, %add3A_545, %rem3A_536 : i32
      %dma_wait3A_547 = arith.constant 0 : i32
      %dma_wait3A_548 = arith.constant 0 : i32
      %dma_wait3A_549 = tpu.memref_slice %arg6[%select_n3A_530, %dma_wait3A_547, %dma_wait3A_548] : memref<4x128x128xf32, #tpu.memory_space<vmem>> -> memref<1x128x128xf32, #tpu.memory_space<vmem>>
      %dma_wait3A_550 = tpu.memref_squeeze %dma_wait3A_549 : memref<1x128x128xf32, #tpu.memory_space<vmem>> -> memref<128x128xf32, #tpu.memory_space<vmem>>
      %dma_wait3A_551 = arith.constant 0 : i32
      %dma_wait3A_552 = tpu.memref_slice %arg5[%select_n3A_514, %dma_wait3A_551] : memref<4x128xi32, #tpu.memory_space<vmem>> -> memref<1x128xi32, #tpu.memory_space<vmem>>
      %dma_wait3A_553 = tpu.memref_squeeze %dma_wait3A_552 : memref<1x128xi32, #tpu.memory_space<vmem>> -> memref<128xi32, #tpu.memory_space<vmem>>
      %dma_wait3A_554 = arith.constant 0 : i32
      %dma_wait3A_555 = arith.constant 0 : i32
      %dma_wait3A_556 = tpu.memref_slice %arg3[%dma_wait3A_554, %dma_wait3A_555] : memref<1000000x128xf32, #tpu.memory_space<hbm>> -> memref<1000000x128xf32, #tpu.memory_space<hbm>>
      %dma_wait3A_557 = tpu.memref_slice %arg8[%select_n3A_546] : memref<2x!tpu.dma_semaphore, #tpu.memory_space<semaphore_mem>> -> memref<1x!tpu.dma_semaphore, #tpu.memory_space<semaphore_mem>>
      %dma_wait3A_558 = tpu.memref_squeeze %dma_wait3A_557 : memref<1x!tpu.dma_semaphore, #tpu.memory_space<semaphore_mem>> -> memref<!tpu.dma_semaphore, #tpu.memory_space<semaphore_mem>>
      tpu.wait_indirect_dma semaphore(%dma_wait3A_558 : memref<!tpu.dma_semaphore, #tpu.memory_space<semaphore_mem>>) src(%dma_wait3A_556 : memref<1000000x128xf32, #tpu.memory_space<hbm>>) dst(%dma_wait3A_550 : memref<128x128xf32, #tpu.memory_space<vmem>>)
      %ge3A = arith.constant 2 : i32
      %ge3A_559 = arith.cmpi sge, %scan3A_498, %ge3A : i32
      %convert_element_type3A = arith.extui %ge3A_559 : i1 to i32
      %cond3A = arith.constant 0 : i32
      %cond3A_560 = arith.cmpi ne, %convert_element_type3A, %cond3A : i32
      scf.if %cond3A_560 {
        %sub3A_666 = arith.constant 2 : i32
        %sub3A_667 = arith.subi %scan3A_498, %sub3A_666 : i32
        %add3A_668 = arith.addi %mul3A_2, %sub3A_667 : i32
        %jit3A_669 = arith.constant 32 : i32
        %div3A_670 = arith.divsi %add3A_668, %jit3A_669 : i32
        %sign3A_671 = arith.constant 0 : i32
        %sign3A_672 = arith.cmpi sgt, %add3A_668, %sign3A_671 : i32
        %sign3A_673 = arith.extui %sign3A_672 : i1 to i32
        %sign3A_674 = arith.constant 0 : i32
        %sign3A_675 = arith.cmpi slt, %add3A_668, %sign3A_674 : i32
        %sign3A_676 = arith.extui %sign3A_675 : i1 to i32
        %sign3A_677 = arith.subi %sign3A_673, %sign3A_676 : i32
        %sign3A_678 = arith.constant 0 : i32
        %sign3A_679 = arith.cmpi sgt, %jit3A_669, %sign3A_678 : i32
        %sign3A_680 = arith.extui %sign3A_679 : i1 to i32
        %sign3A_681 = arith.constant 0 : i32
        %sign3A_682 = arith.cmpi slt, %jit3A_669, %sign3A_681 : i32
        %sign3A_683 = arith.extui %sign3A_682 : i1 to i32
        %sign3A_684 = arith.subi %sign3A_680, %sign3A_683 : i32
        %ne3A_685 = arith.cmpi ne, %sign3A_677, %sign3A_684 : i32
        %rem3A_686 = arith.remsi %add3A_668, %jit3A_669 : i32
        %ne3A_687 = arith.constant 0 : i32
        %ne3A_688 = arith.cmpi ne, %rem3A_686, %ne3A_687 : i32
        %and3A_689 = arith.andi %ne3A_685, %ne3A_688 : i1
        %sub3A_690 = arith.constant 1 : i32
        %sub3A_691 = arith.subi %div3A_670, %sub3A_690 : i32
        %select_n3A_692 = arith.select %and3A_689, %sub3A_691, %div3A_670 : i32
        %jit3A_693 = arith.constant 32 : i32
        %eq3A_694 = arith.constant 0 : i32
        %eq3A_695 = arith.cmpi eq, %jit3A_693, %eq3A_694 : i32
        %jit3A_696 = arith.constant 1 : i32
        %select_n3A_697 = arith.select %eq3A_695, %jit3A_696, %jit3A_693 : i32
        %rem3A_698 = arith.remsi %add3A_668, %select_n3A_697 : i32
        %ne3A_699 = arith.constant 0 : i32
        %ne3A_700 = arith.cmpi ne, %rem3A_698, %ne3A_699 : i32
        %lt3A_701 = arith.constant 0 : i32
        %lt3A_702 = arith.cmpi slt, %rem3A_698, %lt3A_701 : i32
        %lt3A_703 = arith.constant 0 : i32
        %lt3A_704 = arith.cmpi slt, %select_n3A_697, %lt3A_703 : i32
        %ne3A_705 = arith.xori %lt3A_702, %lt3A_704 : i1
        %and3A_706 = arith.andi %ne3A_705, %ne3A_700 : i1
        %add3A_707 = arith.addi %rem3A_698, %select_n3A_697 : i32
        %select_n3A_708 = arith.select %and3A_706, %add3A_707, %rem3A_698 : i32
        %mul3A_709 = arith.constant 128 : i32
        %mul3A_710 = arith.muli %select_n3A_708, %mul3A_709 : i32
        %jit3A_711 = arith.constant 4 : i32
        %eq3A_712 = arith.constant 0 : i32
        %eq3A_713 = arith.cmpi eq, %jit3A_711, %eq3A_712 : i32
        %jit3A_714 = arith.constant 1 : i32
        %select_n3A_715 = arith.select %eq3A_713, %jit3A_714, %jit3A_711 : i32
        %rem3A_716 = arith.remsi %sub3A_667, %select_n3A_715 : i32
        %ne3A_717 = arith.constant 0 : i32
        %ne3A_718 = arith.cmpi ne, %rem3A_716, %ne3A_717 : i32
        %lt3A_719 = arith.constant 0 : i32
        %lt3A_720 = arith.cmpi slt, %rem3A_716, %lt3A_719 : i32
        %lt3A_721 = arith.constant 0 : i32
        %lt3A_722 = arith.cmpi slt, %select_n3A_715, %lt3A_721 : i32
        %ne3A_723 = arith.xori %lt3A_720, %lt3A_722 : i1
        %and3A_724 = arith.andi %ne3A_723, %ne3A_718 : i1
        %add3A_725 = arith.addi %rem3A_716, %select_n3A_715 : i32
        %select_n3A_726 = arith.select %and3A_724, %add3A_725, %rem3A_716 : i32
        %jit3A_727 = arith.constant 2 : i32
        %eq3A_728 = arith.constant 0 : i32
        %eq3A_729 = arith.cmpi eq, %jit3A_727, %eq3A_728 : i32
        %jit3A_730 = arith.constant 1 : i32
        %select_n3A_731 = arith.select %eq3A_729, %jit3A_730, %jit3A_727 : i32
        %rem3A_732 = arith.remsi %sub3A_667, %select_n3A_731 : i32
        %ne3A_733 = arith.constant 0 : i32
        %ne3A_734 = arith.cmpi ne, %rem3A_732, %ne3A_733 : i32
        %lt3A_735 = arith.constant 0 : i32
        %lt3A_736 = arith.cmpi slt, %rem3A_732, %lt3A_735 : i32
        %lt3A_737 = arith.constant 0 : i32
        %lt3A_738 = arith.cmpi slt, %select_n3A_731, %lt3A_737 : i32
        %ne3A_739 = arith.xori %lt3A_736, %lt3A_738 : i1
        %and3A_740 = arith.andi %ne3A_739, %ne3A_734 : i1
        %add3A_741 = arith.addi %rem3A_732, %select_n3A_731 : i32
        %select_n3A_742 = arith.select %and3A_740, %add3A_741, %rem3A_732 : i32
        %dma_wait3A_743 = arith.constant 0 : i32
        %dma_wait3A_744 = arith.constant 0 : i32
        %dma_wait3A_745 = tpu.memref_slice %arg6[%select_n3A_726, %dma_wait3A_743, %dma_wait3A_744] : memref<4x128x128xf32, #tpu.memory_space<vmem>> -> memref<1x128x128xf32, #tpu.memory_space<vmem>>
        %dma_wait3A_746 = tpu.memref_squeeze %dma_wait3A_745 : memref<1x128x128xf32, #tpu.memory_space<vmem>> -> memref<128x128xf32, #tpu.memory_space<vmem>>
        %dma_wait3A_747 = arith.constant 0 : i32
        %dma_wait3A_748 = tpu.memref_slice %arg4[%select_n3A_692, %mul3A_710, %dma_wait3A_747] : memref<200x4096x128xf32, #tpu.memory_space<hbm>> -> memref<1x128x128xf32, #tpu.memory_space<hbm>>
        %dma_wait3A_749 = tpu.memref_squeeze %dma_wait3A_748 : memref<1x128x128xf32, #tpu.memory_space<hbm>> -> memref<128x128xf32, #tpu.memory_space<hbm>>
        %dma_wait3A_750 = tpu.memref_slice %arg9[%select_n3A_742] : memref<2x!tpu.dma_semaphore, #tpu.memory_space<semaphore_mem>> -> memref<1x!tpu.dma_semaphore, #tpu.memory_space<semaphore_mem>>
        %dma_wait3A_751 = tpu.memref_squeeze %dma_wait3A_750 : memref<1x!tpu.dma_semaphore, #tpu.memory_space<semaphore_mem>> -> memref<!tpu.dma_semaphore, #tpu.memory_space<semaphore_mem>>
        %dma_wait3A_752 = arith.constant 0 : i32
        %dma_wait3A_753 = tpu.memref_slice %arg4[%select_n3A_692, %mul3A_710, %dma_wait3A_752] : memref<200x4096x128xf32, #tpu.memory_space<hbm>> -> memref<1x128x128xf32, #tpu.memory_space<hbm>>
        %dma_wait3A_754 = tpu.memref_squeeze %dma_wait3A_753 : memref<1x128x128xf32, #tpu.memory_space<hbm>> -> memref<128x128xf32, #tpu.memory_space<hbm>>
        %dma_wait3A_755 = arith.constant 0 : i32
        %dma_wait3A_756 = arith.constant 0 : i32
        %dma_wait3A_757 = tpu.memref_slice %arg6[%select_n3A_726, %dma_wait3A_755, %dma_wait3A_756] : memref<4x128x128xf32, #tpu.memory_space<vmem>> -> memref<1x128x128xf32, #tpu.memory_space<vmem>>
        %dma_wait3A_758 = tpu.memref_squeeze %dma_wait3A_757 : memref<1x128x128xf32, #tpu.memory_space<vmem>> -> memref<128x128xf32, #tpu.memory_space<vmem>>
        tpu.wait_dma2 semaphore(%dma_wait3A_751 : memref<!tpu.dma_semaphore, #tpu.memory_space<semaphore_mem>>) src(%dma_wait3A_758 : memref<128x128xf32, #tpu.memory_space<vmem>>) dst(%dma_wait3A_754 : memref<128x128xf32, #tpu.memory_space<hbm>>)
      } else {
      }
      %add3A_561 = arith.addi %mul3A_2, %scan3A_498 : i32
      %jit3A_562 = arith.constant 32 : i32
      %div3A_563 = arith.divsi %add3A_561, %jit3A_562 : i32
      %sign3A_564 = arith.constant 0 : i32
      %sign3A_565 = arith.cmpi sgt, %add3A_561, %sign3A_564 : i32
      %sign3A_566 = arith.extui %sign3A_565 : i1 to i32
      %sign3A_567 = arith.constant 0 : i32
      %sign3A_568 = arith.cmpi slt, %add3A_561, %sign3A_567 : i32
      %sign3A_569 = arith.extui %sign3A_568 : i1 to i32
      %sign3A_570 = arith.subi %sign3A_566, %sign3A_569 : i32
      %sign3A_571 = arith.constant 0 : i32
      %sign3A_572 = arith.cmpi sgt, %jit3A_562, %sign3A_571 : i32
      %sign3A_573 = arith.extui %sign3A_572 : i1 to i32
      %sign3A_574 = arith.constant 0 : i32
      %sign3A_575 = arith.cmpi slt, %jit3A_562, %sign3A_574 : i32
      %sign3A_576 = arith.extui %sign3A_575 : i1 to i32
      %sign3A_577 = arith.subi %sign3A_573, %sign3A_576 : i32
      %ne3A_578 = arith.cmpi ne, %sign3A_570, %sign3A_577 : i32
      %rem3A_579 = arith.remsi %add3A_561, %jit3A_562 : i32
      %ne3A_580 = arith.constant 0 : i32
      %ne3A_581 = arith.cmpi ne, %rem3A_579, %ne3A_580 : i32
      %and3A_582 = arith.andi %ne3A_578, %ne3A_581 : i1
      %sub3A_583 = arith.constant 1 : i32
      %sub3A_584 = arith.subi %div3A_563, %sub3A_583 : i32
      %select_n3A_585 = arith.select %and3A_582, %sub3A_584, %div3A_563 : i32
      %jit3A_586 = arith.constant 32 : i32
      %eq3A_587 = arith.constant 0 : i32
      %eq3A_588 = arith.cmpi eq, %jit3A_586, %eq3A_587 : i32
      %jit3A_589 = arith.constant 1 : i32
      %select_n3A_590 = arith.select %eq3A_588, %jit3A_589, %jit3A_586 : i32
      %rem3A_591 = arith.remsi %add3A_561, %select_n3A_590 : i32
      %ne3A_592 = arith.constant 0 : i32
      %ne3A_593 = arith.cmpi ne, %rem3A_591, %ne3A_592 : i32
      %lt3A_594 = arith.constant 0 : i32
      %lt3A_595 = arith.cmpi slt, %rem3A_591, %lt3A_594 : i32
      %lt3A_596 = arith.constant 0 : i32
      %lt3A_597 = arith.cmpi slt, %select_n3A_590, %lt3A_596 : i32
      %ne3A_598 = arith.xori %lt3A_595, %lt3A_597 : i1
      %and3A_599 = arith.andi %ne3A_598, %ne3A_593 : i1
      %add3A_600 = arith.addi %rem3A_591, %select_n3A_590 : i32
      %select_n3A_601 = arith.select %and3A_599, %add3A_600, %rem3A_591 : i32
      %mul3A_602 = arith.constant 128 : i32
      %mul3A_603 = arith.muli %select_n3A_601, %mul3A_602 : i32
      %jit3A_604 = arith.constant 4 : i32
      %eq3A_605 = arith.constant 0 : i32
      %eq3A_606 = arith.cmpi eq, %jit3A_604, %eq3A_605 : i32
      %jit3A_607 = arith.constant 1 : i32
      %select_n3A_608 = arith.select %eq3A_606, %jit3A_607, %jit3A_604 : i32
      %rem3A_609 = arith.remsi %scan3A_498, %select_n3A_608 : i32
      %ne3A_610 = arith.constant 0 : i32
      %ne3A_611 = arith.cmpi ne, %rem3A_609, %ne3A_610 : i32
      %lt3A_612 = arith.constant 0 : i32
      %lt3A_613 = arith.cmpi slt, %rem3A_609, %lt3A_612 : i32
      %lt3A_614 = arith.constant 0 : i32
      %lt3A_615 = arith.cmpi slt, %select_n3A_608, %lt3A_614 : i32
      %ne3A_616 = arith.xori %lt3A_613, %lt3A_615 : i1
      %and3A_617 = arith.andi %ne3A_616, %ne3A_611 : i1
      %add3A_618 = arith.addi %rem3A_609, %select_n3A_608 : i32
      %select_n3A_619 = arith.select %and3A_617, %add3A_618, %rem3A_609 : i32
      %jit3A_620 = arith.constant 2 : i32
      %eq3A_621 = arith.constant 0 : i32
      %eq3A_622 = arith.cmpi eq, %jit3A_620, %eq3A_621 : i32
      %jit3A_623 = arith.constant 1 : i32
      %select_n3A_624 = arith.select %eq3A_622, %jit3A_623, %jit3A_620 : i32
      %rem3A_625 = arith.remsi %scan3A_498, %select_n3A_624 : i32
      %ne3A_626 = arith.constant 0 : i32
      %ne3A_627 = arith.cmpi ne, %rem3A_625, %ne3A_626 : i32
      %lt3A_628 = arith.constant 0 : i32
      %lt3A_629 = arith.cmpi slt, %rem3A_625, %lt3A_628 : i32
      %lt3A_630 = arith.constant 0 : i32
      %lt3A_631 = arith.cmpi slt, %select_n3A_624, %lt3A_630 : i32
      %ne3A_632 = arith.xori %lt3A_629, %lt3A_631 : i1
      %and3A_633 = arith.andi %ne3A_632, %ne3A_627 : i1
      %add3A_634 = arith.addi %rem3A_625, %select_n3A_624 : i32
      %select_n3A_635 = arith.select %and3A_633, %add3A_634, %rem3A_625 : i32
      %dma_start3A_636 = arith.constant 0 : i32
      %dma_start3A_637 = arith.constant 0 : i32
      %dma_start3A_638 = tpu.memref_slice %arg6[%select_n3A_619, %dma_start3A_636, %dma_start3A_637] : memref<4x128x128xf32, #tpu.memory_space<vmem>> -> memref<1x128x128xf32, #tpu.memory_space<vmem>>
      %dma_start3A_639 = tpu.memref_squeeze %dma_start3A_638 : memref<1x128x128xf32, #tpu.memory_space<vmem>> -> memref<128x128xf32, #tpu.memory_space<vmem>>
      %dma_start3A_640 = arith.constant 0 : i32
      %dma_start3A_641 = tpu.memref_slice %arg4[%select_n3A_585, %mul3A_603, %dma_start3A_640] : memref<200x4096x128xf32, #tpu.memory_space<hbm>> -> memref<1x128x128xf32, #tpu.memory_space<hbm>>
      %dma_start3A_642 = tpu.memref_squeeze %dma_start3A_641 : memref<1x128x128xf32, #tpu.memory_space<hbm>> -> memref<128x128xf32, #tpu.memory_space<hbm>>
      %dma_start3A_643 = tpu.memref_slice %arg9[%select_n3A_635] : memref<2x!tpu.dma_semaphore, #tpu.memory_space<semaphore_mem>> -> memref<1x!tpu.dma_semaphore, #tpu.memory_space<semaphore_mem>>
      %dma_start3A_644 = tpu.memref_squeeze %dma_start3A_643 : memref<1x!tpu.dma_semaphore, #tpu.memory_space<semaphore_mem>> -> memref<!tpu.dma_semaphore, #tpu.memory_space<semaphore_mem>>
      %dma_start3A_645 = arith.constant 0 : i32
      %dma_start3A_646 = tpu.memref_slice %arg4[%select_n3A_585, %mul3A_603, %dma_start3A_645] : memref<200x4096x128xf32, #tpu.memory_space<hbm>> -> memref<1x128x128xf32, #tpu.memory_space<hbm>>
      %dma_start3A_647 = tpu.memref_squeeze %dma_start3A_646 : memref<1x128x128xf32, #tpu.memory_space<hbm>> -> memref<128x128xf32, #tpu.memory_space<hbm>>
      %dma_start3A_648 = arith.constant 0 : i32
      %dma_start3A_649 = arith.constant 0 : i32
      %dma_start3A_650 = tpu.memref_slice %arg6[%select_n3A_619, %dma_start3A_648, %dma_start3A_649] : memref<4x128x128xf32, #tpu.memory_space<vmem>> -> memref<1x128x128xf32, #tpu.memory_space<vmem>>
      %dma_start3A_651 = tpu.memref_squeeze %dma_start3A_650 : memref<1x128x128xf32, #tpu.memory_space<vmem>> -> memref<128x128xf32, #tpu.memory_space<vmem>>
      tpu.enqueue_dma source(%dma_start3A_651 : memref<128x128xf32, #tpu.memory_space<vmem>>) target(%dma_start3A_647 : memref<128x128xf32, #tpu.memory_space<hbm>>) target_semaphore(%dma_start3A_644 : memref<!tpu.dma_semaphore, #tpu.memory_space<semaphore_mem>>)
      %add3A_652 = arith.constant 4 : i32
      %add3A_653 = arith.addi %scan3A_498, %add3A_652 : i32
      %lt3A_654 = arith.constant 200 : i32
      %lt3A_655 = arith.cmpi slt, %add3A_653, %lt3A_654 : i32
      %convert_element_type3A_656 = arith.extui %lt3A_655 : i1 to i32
      %cond3A_657 = arith.constant 0 : i32
      %cond3A_658 = arith.cmpi ne, %convert_element_type3A_656, %cond3A_657 : i32
      scf.if %cond3A_658 {
        %add3A_666 = arith.constant 4 : i32
        %add3A_667 = arith.addi %scan3A_498, %add3A_666 : i32
        %add3A_668 = arith.addi %mul3A_2, %add3A_667 : i32
        %jit3A_669 = arith.constant 32 : i32
        %div3A_670 = arith.divsi %add3A_668, %jit3A_669 : i32
        %sign3A_671 = arith.constant 0 : i32
        %sign3A_672 = arith.cmpi sgt, %add3A_668, %sign3A_671 : i32
        %sign3A_673 = arith.extui %sign3A_672 : i1 to i32
        %sign3A_674 = arith.constant 0 : i32
        %sign3A_675 = arith.cmpi slt, %add3A_668, %sign3A_674 : i32
        %sign3A_676 = arith.extui %sign3A_675 : i1 to i32
        %sign3A_677 = arith.subi %sign3A_673, %sign3A_676 : i32
        %sign3A_678 = arith.constant 0 : i32
        %sign3A_679 = arith.cmpi sgt, %jit3A_669, %sign3A_678 : i32
        %sign3A_680 = arith.extui %sign3A_679 : i1 to i32
        %sign3A_681 = arith.constant 0 : i32
        %sign3A_682 = arith.cmpi slt, %jit3A_669, %sign3A_681 : i32
        %sign3A_683 = arith.extui %sign3A_682 : i1 to i32
        %sign3A_684 = arith.subi %sign3A_680, %sign3A_683 : i32
        %ne3A_685 = arith.cmpi ne, %sign3A_677, %sign3A_684 : i32
        %rem3A_686 = arith.remsi %add3A_668, %jit3A_669 : i32
        %ne3A_687 = arith.constant 0 : i32
        %ne3A_688 = arith.cmpi ne, %rem3A_686, %ne3A_687 : i32
        %and3A_689 = arith.andi %ne3A_685, %ne3A_688 : i1
        %sub3A_690 = arith.constant 1 : i32
        %sub3A_691 = arith.subi %div3A_670, %sub3A_690 : i32
        %select_n3A_692 = arith.select %and3A_689, %sub3A_691, %div3A_670 : i32
        %jit3A_693 = arith.constant 32 : i32
        %eq3A_694 = arith.constant 0 : i32
        %eq3A_695 = arith.cmpi eq, %jit3A_693, %eq3A_694 : i32
        %jit3A_696 = arith.constant 1 : i32
        %select_n3A_697 = arith.select %eq3A_695, %jit3A_696, %jit3A_693 : i32
        %rem3A_698 = arith.remsi %add3A_668, %select_n3A_697 : i32
        %ne3A_699 = arith.constant 0 : i32
        %ne3A_700 = arith.cmpi ne, %rem3A_698, %ne3A_699 : i32
        %lt3A_701 = arith.constant 0 : i32
        %lt3A_702 = arith.cmpi slt, %rem3A_698, %lt3A_701 : i32
        %lt3A_703 = arith.constant 0 : i32
        %lt3A_704 = arith.cmpi slt, %select_n3A_697, %lt3A_703 : i32
        %ne3A_705 = arith.xori %lt3A_702, %lt3A_704 : i1
        %and3A_706 = arith.andi %ne3A_705, %ne3A_700 : i1
        %add3A_707 = arith.addi %rem3A_698, %select_n3A_697 : i32
        %select_n3A_708 = arith.select %and3A_706, %add3A_707, %rem3A_698 : i32
        %mul3A_709 = arith.constant 128 : i32
        %mul3A_710 = arith.muli %select_n3A_708, %mul3A_709 : i32
        %jit3A_711 = arith.constant 4 : i32
        %eq3A_712 = arith.constant 0 : i32
        %eq3A_713 = arith.cmpi eq, %jit3A_711, %eq3A_712 : i32
        %jit3A_714 = arith.constant 1 : i32
        %select_n3A_715 = arith.select %eq3A_713, %jit3A_714, %jit3A_711 : i32
        %rem3A_716 = arith.remsi %add3A_667, %select_n3A_715 : i32
        %ne3A_717 = arith.constant 0 : i32
        %ne3A_718 = arith.cmpi ne, %rem3A_716, %ne3A_717 : i32
        %lt3A_719 = arith.constant 0 : i32
        %lt3A_720 = arith.cmpi slt, %rem3A_716, %lt3A_719 : i32
        %lt3A_721 = arith.constant 0 : i32
        %lt3A_722 = arith.cmpi slt, %select_n3A_715, %lt3A_721 : i32
        %ne3A_723 = arith.xori %lt3A_720, %lt3A_722 : i1
        %and3A_724 = arith.andi %ne3A_723, %ne3A_718 : i1
        %add3A_725 = arith.addi %rem3A_716, %select_n3A_715 : i32
        %select_n3A_726 = arith.select %and3A_724, %add3A_725, %rem3A_716 : i32
        %jit3A_727 = arith.constant 4 : i32
        %eq3A_728 = arith.constant 0 : i32
        %eq3A_729 = arith.cmpi eq, %jit3A_727, %eq3A_728 : i32
        %jit3A_730 = arith.constant 1 : i32
        %select_n3A_731 = arith.select %eq3A_729, %jit3A_730, %jit3A_727 : i32
        %rem3A_732 = arith.remsi %add3A_667, %select_n3A_731 : i32
        %ne3A_733 = arith.constant 0 : i32
        %ne3A_734 = arith.cmpi ne, %rem3A_732, %ne3A_733 : i32
        %lt3A_735 = arith.constant 0 : i32
        %lt3A_736 = arith.cmpi slt, %rem3A_732, %lt3A_735 : i32
        %lt3A_737 = arith.constant 0 : i32
        %lt3A_738 = arith.cmpi slt, %select_n3A_731, %lt3A_737 : i32
        %ne3A_739 = arith.xori %lt3A_736, %lt3A_738 : i1
        %and3A_740 = arith.andi %ne3A_739, %ne3A_734 : i1
        %add3A_741 = arith.addi %rem3A_732, %select_n3A_731 : i32
        %select_n3A_742 = arith.select %and3A_740, %add3A_741, %rem3A_732 : i32
        %dma_start3A_743 = arith.constant 0 : i32
        %dma_start3A_744 = tpu.memref_slice %arg5[%select_n3A_726, %dma_start3A_743] : memref<4x128xi32, #tpu.memory_space<vmem>> -> memref<1x128xi32, #tpu.memory_space<vmem>>
        %dma_start3A_745 = tpu.memref_squeeze %dma_start3A_744 : memref<1x128xi32, #tpu.memory_space<vmem>> -> memref<128xi32, #tpu.memory_space<vmem>>
        %dma_start3A_746 = tpu.memref_slice %arg2[%select_n3A_692, %mul3A_710] : memref<200x4096xi32, #tpu.memory_space<hbm>> -> memref<1x128xi32, #tpu.memory_space<hbm>>
        %dma_start3A_747 = tpu.memref_squeeze %dma_start3A_746 : memref<1x128xi32, #tpu.memory_space<hbm>> -> memref<128xi32, #tpu.memory_space<hbm>>
        %dma_start3A_748 = tpu.memref_slice %arg7[%select_n3A_742] : memref<4x!tpu.dma_semaphore, #tpu.memory_space<semaphore_mem>> -> memref<1x!tpu.dma_semaphore, #tpu.memory_space<semaphore_mem>>
        %dma_start3A_749 = tpu.memref_squeeze %dma_start3A_748 : memref<1x!tpu.dma_semaphore, #tpu.memory_space<semaphore_mem>> -> memref<!tpu.dma_semaphore, #tpu.memory_space<semaphore_mem>>
        %dma_start3A_750 = arith.constant 0 : i32
        %dma_start3A_751 = tpu.memref_slice %arg5[%select_n3A_726, %dma_start3A_750] : memref<4x128xi32, #tpu.memory_space<vmem>> -> memref<1x128xi32, #tpu.memory_space<vmem>>
        %dma_start3A_752 = tpu.memref_squeeze %dma_start3A_751 : memref<1x128xi32, #tpu.memory_space<vmem>> -> memref<128xi32, #tpu.memory_space<vmem>>
        %dma_start3A_753 = tpu.memref_slice %arg2[%select_n3A_692, %mul3A_710] : memref<200x4096xi32, #tpu.memory_space<hbm>> -> memref<1x128xi32, #tpu.memory_space<hbm>>
        %dma_start3A_754 = tpu.memref_squeeze %dma_start3A_753 : memref<1x128xi32, #tpu.memory_space<hbm>> -> memref<128xi32, #tpu.memory_space<hbm>>
        tpu.enqueue_dma source(%dma_start3A_754 : memref<128xi32, #tpu.memory_space<hbm>>) target(%dma_start3A_752 : memref<128xi32, #tpu.memory_space<vmem>>) target_semaphore(%dma_start3A_749 : memref<!tpu.dma_semaphore, #tpu.memory_space<semaphore_mem>>)
      } else {
      }
      %add3A_659 = arith.constant 2 : i32
      %add3A_660 = arith.addi %scan3A_498, %add3A_659 : i32
      %lt3A_661 = arith.constant 200 : i32
      %lt3A_662 = arith.cmpi slt, %add3A_660, %lt3A_661 : i32
      %convert_element_type3A_663 = arith.extui %lt3A_662 : i1 to i32
      %cond3A_664 = arith.constant 0 : i32
      %cond3A_665 = arith.cmpi ne, %convert_element_type3A_663, %cond3A_664 : i32
      scf.if %cond3A_665 {
        %add3A_666 = arith.constant 2 : i32
        %add3A_667 = arith.addi %scan3A_498, %add3A_666 : i32
        %add3A_668 = arith.addi %mul3A_2, %add3A_667 : i32
        %jit3A_669 = arith.constant 32 : i32
        %div3A_670 = arith.divsi %add3A_668, %jit3A_669 : i32
        %sign3A_671 = arith.constant 0 : i32
        %sign3A_672 = arith.cmpi sgt, %add3A_668, %sign3A_671 : i32
        %sign3A_673 = arith.extui %sign3A_672 : i1 to i32
        %sign3A_674 = arith.constant 0 : i32
        %sign3A_675 = arith.cmpi slt, %add3A_668, %sign3A_674 : i32
        %sign3A_676 = arith.extui %sign3A_675 : i1 to i32
        %sign3A_677 = arith.subi %sign3A_673, %sign3A_676 : i32
        %sign3A_678 = arith.constant 0 : i32
        %sign3A_679 = arith.cmpi sgt, %jit3A_669, %sign3A_678 : i32
        %sign3A_680 = arith.extui %sign3A_679 : i1 to i32
        %sign3A_681 = arith.constant 0 : i32
        %sign3A_682 = arith.cmpi slt, %jit3A_669, %sign3A_681 : i32
        %sign3A_683 = arith.extui %sign3A_682 : i1 to i32
        %sign3A_684 = arith.subi %sign3A_680, %sign3A_683 : i32
        %ne3A_685 = arith.cmpi ne, %sign3A_677, %sign3A_684 : i32
        %rem3A_686 = arith.remsi %add3A_668, %jit3A_669 : i32
        %ne3A_687 = arith.constant 0 : i32
        %ne3A_688 = arith.cmpi ne, %rem3A_686, %ne3A_687 : i32
        %and3A_689 = arith.andi %ne3A_685, %ne3A_688 : i1
        %sub3A_690 = arith.constant 1 : i32
        %sub3A_691 = arith.subi %div3A_670, %sub3A_690 : i32
        %select_n3A_692 = arith.select %and3A_689, %sub3A_691, %div3A_670 : i32
        %jit3A_693 = arith.constant 32 : i32
        %eq3A_694 = arith.constant 0 : i32
        %eq3A_695 = arith.cmpi eq, %jit3A_693, %eq3A_694 : i32
        %jit3A_696 = arith.constant 1 : i32
        %select_n3A_697 = arith.select %eq3A_695, %jit3A_696, %jit3A_693 : i32
        %rem3A_698 = arith.remsi %add3A_668, %select_n3A_697 : i32
        %ne3A_699 = arith.constant 0 : i32
        %ne3A_700 = arith.cmpi ne, %rem3A_698, %ne3A_699 : i32
        %lt3A_701 = arith.constant 0 : i32
        %lt3A_702 = arith.cmpi slt, %rem3A_698, %lt3A_701 : i32
        %lt3A_703 = arith.constant 0 : i32
        %lt3A_704 = arith.cmpi slt, %select_n3A_697, %lt3A_703 : i32
        %ne3A_705 = arith.xori %lt3A_702, %lt3A_704 : i1
        %and3A_706 = arith.andi %ne3A_705, %ne3A_700 : i1
        %add3A_707 = arith.addi %rem3A_698, %select_n3A_697 : i32
        %select_n3A_708 = arith.select %and3A_706, %add3A_707, %rem3A_698 : i32
        %mul3A_709 = arith.constant 128 : i32
        %mul3A_710 = arith.muli %select_n3A_708, %mul3A_709 : i32
        %jit3A_711 = arith.constant 4 : i32
        %eq3A_712 = arith.constant 0 : i32
        %eq3A_713 = arith.cmpi eq, %jit3A_711, %eq3A_712 : i32
        %jit3A_714 = arith.constant 1 : i32
        %select_n3A_715 = arith.select %eq3A_713, %jit3A_714, %jit3A_711 : i32
        %rem3A_716 = arith.remsi %add3A_667, %select_n3A_715 : i32
        %ne3A_717 = arith.constant 0 : i32
        %ne3A_718 = arith.cmpi ne, %rem3A_716, %ne3A_717 : i32
        %lt3A_719 = arith.constant 0 : i32
        %lt3A_720 = arith.cmpi slt, %rem3A_716, %lt3A_719 : i32
        %lt3A_721 = arith.constant 0 : i32
        %lt3A_722 = arith.cmpi slt, %select_n3A_715, %lt3A_721 : i32
        %ne3A_723 = arith.xori %lt3A_720, %lt3A_722 : i1
        %and3A_724 = arith.andi %ne3A_723, %ne3A_718 : i1
        %add3A_725 = arith.addi %rem3A_716, %select_n3A_715 : i32
        %select_n3A_726 = arith.select %and3A_724, %add3A_725, %rem3A_716 : i32
        %jit3A_727 = arith.constant 4 : i32
        %eq3A_728 = arith.constant 0 : i32
        %eq3A_729 = arith.cmpi eq, %jit3A_727, %eq3A_728 : i32
        %jit3A_730 = arith.constant 1 : i32
        %select_n3A_731 = arith.select %eq3A_729, %jit3A_730, %jit3A_727 : i32
        %rem3A_732 = arith.remsi %add3A_667, %select_n3A_731 : i32
        %ne3A_733 = arith.constant 0 : i32
        %ne3A_734 = arith.cmpi ne, %rem3A_732, %ne3A_733 : i32
        %lt3A_735 = arith.constant 0 : i32
        %lt3A_736 = arith.cmpi slt, %rem3A_732, %lt3A_735 : i32
        %lt3A_737 = arith.constant 0 : i32
        %lt3A_738 = arith.cmpi slt, %select_n3A_731, %lt3A_737 : i32
        %ne3A_739 = arith.xori %lt3A_736, %lt3A_738 : i1
        %and3A_740 = arith.andi %ne3A_739, %ne3A_734 : i1
        %add3A_741 = arith.addi %rem3A_732, %select_n3A_731 : i32
        %select_n3A_742 = arith.select %and3A_740, %add3A_741, %rem3A_732 : i32
        %dma_wait3A_743 = arith.constant 0 : i32
        %dma_wait3A_744 = tpu.memref_slice %arg5[%select_n3A_726, %dma_wait3A_743] : memref<4x128xi32, #tpu.memory_space<vmem>> -> memref<1x128xi32, #tpu.memory_space<vmem>>
        %dma_wait3A_745 = tpu.memref_squeeze %dma_wait3A_744 : memref<1x128xi32, #tpu.memory_space<vmem>> -> memref<128xi32, #tpu.memory_space<vmem>>
        %dma_wait3A_746 = tpu.memref_slice %arg2[%select_n3A_692, %mul3A_710] : memref<200x4096xi32, #tpu.memory_space<hbm>> -> memref<1x128xi32, #tpu.memory_space<hbm>>
        %dma_wait3A_747 = tpu.memref_squeeze %dma_wait3A_746 : memref<1x128xi32, #tpu.memory_space<hbm>> -> memref<128xi32, #tpu.memory_space<hbm>>
        %dma_wait3A_748 = tpu.memref_slice %arg7[%select_n3A_742] : memref<4x!tpu.dma_semaphore, #tpu.memory_space<semaphore_mem>> -> memref<1x!tpu.dma_semaphore, #tpu.memory_space<semaphore_mem>>
        %dma_wait3A_749 = tpu.memref_squeeze %dma_wait3A_748 : memref<1x!tpu.dma_semaphore, #tpu.memory_space<semaphore_mem>> -> memref<!tpu.dma_semaphore, #tpu.memory_space<semaphore_mem>>
        %dma_wait3A_750 = arith.constant 0 : i32
        %dma_wait3A_751 = tpu.memref_slice %arg5[%select_n3A_726, %dma_wait3A_750] : memref<4x128xi32, #tpu.memory_space<vmem>> -> memref<1x128xi32, #tpu.memory_space<vmem>>
        %dma_wait3A_752 = tpu.memref_squeeze %dma_wait3A_751 : memref<1x128xi32, #tpu.memory_space<vmem>> -> memref<128xi32, #tpu.memory_space<vmem>>
        %dma_wait3A_753 = tpu.memref_slice %arg2[%select_n3A_692, %mul3A_710] : memref<200x4096xi32, #tpu.memory_space<hbm>> -> memref<1x128xi32, #tpu.memory_space<hbm>>
        %dma_wait3A_754 = tpu.memref_squeeze %dma_wait3A_753 : memref<1x128xi32, #tpu.memory_space<hbm>> -> memref<128xi32, #tpu.memory_space<hbm>>
        tpu.wait_dma2 semaphore(%dma_wait3A_749 : memref<!tpu.dma_semaphore, #tpu.memory_space<semaphore_mem>>) src(%dma_wait3A_754 : memref<128xi32, #tpu.memory_space<hbm>>) dst(%dma_wait3A_752 : memref<128xi32, #tpu.memory_space<vmem>>)
        %add3A_755 = arith.constant 2 : i32
        %add3A_756 = arith.addi %scan3A_498, %add3A_755 : i32
        %jit3A_757 = arith.constant 4 : i32
        %eq3A_758 = arith.constant 0 : i32
        %eq3A_759 = arith.cmpi eq, %jit3A_757, %eq3A_758 : i32
        %jit3A_760 = arith.constant 1 : i32
        %select_n3A_761 = arith.select %eq3A_759, %jit3A_760, %jit3A_757 : i32
        %rem3A_762 = arith.remsi %add3A_756, %select_n3A_761 : i32
        %ne3A_763 = arith.constant 0 : i32
        %ne3A_764 = arith.cmpi ne, %rem3A_762, %ne3A_763 : i32
        %lt3A_765 = arith.constant 0 : i32
        %lt3A_766 = arith.cmpi slt, %rem3A_762, %lt3A_765 : i32
        %lt3A_767 = arith.constant 0 : i32
        %lt3A_768 = arith.cmpi slt, %select_n3A_761, %lt3A_767 : i32
        %ne3A_769 = arith.xori %lt3A_766, %lt3A_768 : i1
        %and3A_770 = arith.andi %ne3A_769, %ne3A_764 : i1
        %add3A_771 = arith.addi %rem3A_762, %select_n3A_761 : i32
        %select_n3A_772 = arith.select %and3A_770, %add3A_771, %rem3A_762 : i32
        %jit3A_773 = arith.constant 4 : i32
        %eq3A_774 = arith.constant 0 : i32
        %eq3A_775 = arith.cmpi eq, %jit3A_773, %eq3A_774 : i32
        %jit3A_776 = arith.constant 1 : i32
        %select_n3A_777 = arith.select %eq3A_775, %jit3A_776, %jit3A_773 : i32
        %rem3A_778 = arith.remsi %add3A_756, %select_n3A_777 : i32
        %ne3A_779 = arith.constant 0 : i32
        %ne3A_780 = arith.cmpi ne, %rem3A_778, %ne3A_779 : i32
        %lt3A_781 = arith.constant 0 : i32
        %lt3A_782 = arith.cmpi slt, %rem3A_778, %lt3A_781 : i32
        %lt3A_783 = arith.constant 0 : i32
        %lt3A_784 = arith.cmpi slt, %select_n3A_777, %lt3A_783 : i32
        %ne3A_785 = arith.xori %lt3A_782, %lt3A_784 : i1
        %and3A_786 = arith.andi %ne3A_785, %ne3A_780 : i1
        %add3A_787 = arith.addi %rem3A_778, %select_n3A_777 : i32
        %select_n3A_788 = arith.select %and3A_786, %add3A_787, %rem3A_778 : i32
        %jit3A_789 = arith.constant 2 : i32
        %eq3A_790 = arith.constant 0 : i32
        %eq3A_791 = arith.cmpi eq, %jit3A_789, %eq3A_790 : i32
        %jit3A_792 = arith.constant 1 : i32
        %select_n3A_793 = arith.select %eq3A_791, %jit3A_792, %jit3A_789 : i32
        %rem3A_794 = arith.remsi %add3A_756, %select_n3A_793 : i32
        %ne3A_795 = arith.constant 0 : i32
        %ne3A_796 = arith.cmpi ne, %rem3A_794, %ne3A_795 : i32
        %lt3A_797 = arith.constant 0 : i32
        %lt3A_798 = arith.cmpi slt, %rem3A_794, %lt3A_797 : i32
        %lt3A_799 = arith.constant 0 : i32
        %lt3A_800 = arith.cmpi slt, %select_n3A_793, %lt3A_799 : i32
        %ne3A_801 = arith.xori %lt3A_798, %lt3A_800 : i1
        %and3A_802 = arith.andi %ne3A_801, %ne3A_796 : i1
        %add3A_803 = arith.addi %rem3A_794, %select_n3A_793 : i32
        %select_n3A_804 = arith.select %and3A_802, %add3A_803, %rem3A_794 : i32
        %dma_start3A_805 = arith.constant 0 : i32
        %dma_start3A_806 = arith.constant 0 : i32
        %dma_start3A_807 = tpu.memref_slice %arg6[%select_n3A_788, %dma_start3A_805, %dma_start3A_806] : memref<4x128x128xf32, #tpu.memory_space<vmem>> -> memref<1x128x128xf32, #tpu.memory_space<vmem>>
        %dma_start3A_808 = tpu.memref_squeeze %dma_start3A_807 : memref<1x128x128xf32, #tpu.memory_space<vmem>> -> memref<128x128xf32, #tpu.memory_space<vmem>>
        %dma_start3A_809 = arith.constant 0 : i32
        %dma_start3A_810 = tpu.memref_slice %arg5[%select_n3A_772, %dma_start3A_809] : memref<4x128xi32, #tpu.memory_space<vmem>> -> memref<1x128xi32, #tpu.memory_space<vmem>>
        %dma_start3A_811 = tpu.memref_squeeze %dma_start3A_810 : memref<1x128xi32, #tpu.memory_space<vmem>> -> memref<128xi32, #tpu.memory_space<vmem>>
        %dma_start3A_812 = arith.constant 0 : i32
        %dma_start3A_813 = arith.constant 0 : i32
        %dma_start3A_814 = tpu.memref_slice %arg3[%dma_start3A_812, %dma_start3A_813] : memref<1000000x128xf32, #tpu.memory_space<hbm>> -> memref<1000000x128xf32, #tpu.memory_space<hbm>>
        %dma_start3A_815 = tpu.memref_slice %arg8[%select_n3A_804] : memref<2x!tpu.dma_semaphore, #tpu.memory_space<semaphore_mem>> -> memref<1x!tpu.dma_semaphore, #tpu.memory_space<semaphore_mem>>
        %dma_start3A_816 = tpu.memref_squeeze %dma_start3A_815 : memref<1x!tpu.dma_semaphore, #tpu.memory_space<semaphore_mem>> -> memref<!tpu.dma_semaphore, #tpu.memory_space<semaphore_mem>>
        tpu.enqueue_indirect_dma source(%dma_start3A_814 : memref<1000000x128xf32, #tpu.memory_space<hbm>>) target(%dma_start3A_808 : memref<128x128xf32, #tpu.memory_space<vmem>>) offsets(%dma_start3A_811 : memref<128xi32, #tpu.memory_space<vmem>>) semaphore(%dma_start3A_816 : memref<!tpu.dma_semaphore, #tpu.memory_space<semaphore_mem>>)
      } else {
      }
    }
    %scan3A_373 = arith.constant 200 : i32
    %add3A_374 = arith.constant 198 : i32
    %add3A_375 = arith.addi %mul3A_2, %add3A_374 : i32
    %jit3A_376 = arith.constant 32 : i32
    %div3A_377 = arith.divsi %add3A_375, %jit3A_376 : i32
    %sign3A_378 = arith.constant 0 : i32
    %sign3A_379 = arith.cmpi sgt, %add3A_375, %sign3A_378 : i32
    %sign3A_380 = arith.extui %sign3A_379 : i1 to i32
    %sign3A_381 = arith.constant 0 : i32
    %sign3A_382 = arith.cmpi slt, %add3A_375, %sign3A_381 : i32
    %sign3A_383 = arith.extui %sign3A_382 : i1 to i32
    %sign3A_384 = arith.subi %sign3A_380, %sign3A_383 : i32
    %sign3A_385 = arith.constant 0 : i32
    %sign3A_386 = arith.cmpi sgt, %jit3A_376, %sign3A_385 : i32
    %sign3A_387 = arith.extui %sign3A_386 : i1 to i32
    %sign3A_388 = arith.constant 0 : i32
    %sign3A_389 = arith.cmpi slt, %jit3A_376, %sign3A_388 : i32
    %sign3A_390 = arith.extui %sign3A_389 : i1 to i32
    %sign3A_391 = arith.subi %sign3A_387, %sign3A_390 : i32
    %ne3A_392 = arith.cmpi ne, %sign3A_384, %sign3A_391 : i32
    %rem3A_393 = arith.remsi %add3A_375, %jit3A_376 : i32
    %ne3A_394 = arith.constant 0 : i32
    %ne3A_395 = arith.cmpi ne, %rem3A_393, %ne3A_394 : i32
    %and3A_396 = arith.andi %ne3A_392, %ne3A_395 : i1
    %sub3A_397 = arith.constant 1 : i32
    %sub3A_398 = arith.subi %div3A_377, %sub3A_397 : i32
    %select_n3A_399 = arith.select %and3A_396, %sub3A_398, %div3A_377 : i32
    %jit3A_400 = arith.constant 32 : i32
    %eq3A_401 = arith.constant 0 : i32
    %eq3A_402 = arith.cmpi eq, %jit3A_400, %eq3A_401 : i32
    %jit3A_403 = arith.constant 1 : i32
    %select_n3A_404 = arith.select %eq3A_402, %jit3A_403, %jit3A_400 : i32
    %rem3A_405 = arith.remsi %add3A_375, %select_n3A_404 : i32
    %ne3A_406 = arith.constant 0 : i32
    %ne3A_407 = arith.cmpi ne, %rem3A_405, %ne3A_406 : i32
    %lt3A_408 = arith.constant 0 : i32
    %lt3A_409 = arith.cmpi slt, %rem3A_405, %lt3A_408 : i32
    %lt3A_410 = arith.constant 0 : i32
    %lt3A_411 = arith.cmpi slt, %select_n3A_404, %lt3A_410 : i32
    %ne3A_412 = arith.xori %lt3A_409, %lt3A_411 : i1
    %and3A_413 = arith.andi %ne3A_412, %ne3A_407 : i1
    %add3A_414 = arith.addi %rem3A_405, %select_n3A_404 : i32
    %select_n3A_415 = arith.select %and3A_413, %add3A_414, %rem3A_405 : i32
    %mul3A_416 = arith.constant 128 : i32
    %mul3A_417 = arith.muli %select_n3A_415, %mul3A_416 : i32
    %dma_wait3A_418 = arith.constant 2 : i32
    %dma_wait3A_419 = arith.constant 0 : i32
    %dma_wait3A_420 = arith.constant 0 : i32
    %dma_wait3A_421 = arith.constant 0 : i32
    %dma_wait3A_422 = tpu.memref_slice %arg6[%dma_wait3A_418, %dma_wait3A_420, %dma_wait3A_421] : memref<4x128x128xf32, #tpu.memory_space<vmem>> -> memref<1x128x128xf32, #tpu.memory_space<vmem>>
    %dma_wait3A_423 = tpu.memref_squeeze %dma_wait3A_422 : memref<1x128x128xf32, #tpu.memory_space<vmem>> -> memref<128x128xf32, #tpu.memory_space<vmem>>
    %dma_wait3A_424 = arith.constant 0 : i32
    %dma_wait3A_425 = tpu.memref_slice %arg4[%select_n3A_399, %mul3A_417, %dma_wait3A_424] : memref<200x4096x128xf32, #tpu.memory_space<hbm>> -> memref<1x128x128xf32, #tpu.memory_space<hbm>>
    %dma_wait3A_426 = tpu.memref_squeeze %dma_wait3A_425 : memref<1x128x128xf32, #tpu.memory_space<hbm>> -> memref<128x128xf32, #tpu.memory_space<hbm>>
    %dma_wait3A_427 = tpu.memref_slice %arg9[%dma_wait3A_419] : memref<2x!tpu.dma_semaphore, #tpu.memory_space<semaphore_mem>> -> memref<1x!tpu.dma_semaphore, #tpu.memory_space<semaphore_mem>>
    %dma_wait3A_428 = tpu.memref_squeeze %dma_wait3A_427 : memref<1x!tpu.dma_semaphore, #tpu.memory_space<semaphore_mem>> -> memref<!tpu.dma_semaphore, #tpu.memory_space<semaphore_mem>>
    %dma_wait3A_429 = arith.constant 0 : i32
    %dma_wait3A_430 = tpu.memref_slice %arg4[%select_n3A_399, %mul3A_417, %dma_wait3A_429] : memref<200x4096x128xf32, #tpu.memory_space<hbm>> -> memref<1x128x128xf32, #tpu.memory_space<hbm>>
    %dma_wait3A_431 = tpu.memref_squeeze %dma_wait3A_430 : memref<1x128x128xf32, #tpu.memory_space<hbm>> -> memref<128x128xf32, #tpu.memory_space<hbm>>
    %dma_wait3A_432 = arith.constant 0 : i32
    %dma_wait3A_433 = arith.constant 0 : i32
    %dma_wait3A_434 = tpu.memref_slice %arg6[%dma_wait3A_418, %dma_wait3A_432, %dma_wait3A_433] : memref<4x128x128xf32, #tpu.memory_space<vmem>> -> memref<1x128x128xf32, #tpu.memory_space<vmem>>
    %dma_wait3A_435 = tpu.memref_squeeze %dma_wait3A_434 : memref<1x128x128xf32, #tpu.memory_space<vmem>> -> memref<128x128xf32, #tpu.memory_space<vmem>>
    tpu.wait_dma2 semaphore(%dma_wait3A_428 : memref<!tpu.dma_semaphore, #tpu.memory_space<semaphore_mem>>) src(%dma_wait3A_435 : memref<128x128xf32, #tpu.memory_space<vmem>>) dst(%dma_wait3A_431 : memref<128x128xf32, #tpu.memory_space<hbm>>)
    %add3A_436 = arith.constant 199 : i32
    %add3A_437 = arith.addi %mul3A_2, %add3A_436 : i32
    %jit3A_438 = arith.constant 32 : i32
    %div3A_439 = arith.divsi %add3A_437, %jit3A_438 : i32
    %sign3A_440 = arith.constant 0 : i32
    %sign3A_441 = arith.cmpi sgt, %add3A_437, %sign3A_440 : i32
    %sign3A_442 = arith.extui %sign3A_441 : i1 to i32
    %sign3A_443 = arith.constant 0 : i32
    %sign3A_444 = arith.cmpi slt, %add3A_437, %sign3A_443 : i32
    %sign3A_445 = arith.extui %sign3A_444 : i1 to i32
    %sign3A_446 = arith.subi %sign3A_442, %sign3A_445 : i32
    %sign3A_447 = arith.constant 0 : i32
    %sign3A_448 = arith.cmpi sgt, %jit3A_438, %sign3A_447 : i32
    %sign3A_449 = arith.extui %sign3A_448 : i1 to i32
    %sign3A_450 = arith.constant 0 : i32
    %sign3A_451 = arith.cmpi slt, %jit3A_438, %sign3A_450 : i32
    %sign3A_452 = arith.extui %sign3A_451 : i1 to i32
    %sign3A_453 = arith.subi %sign3A_449, %sign3A_452 : i32
    %ne3A_454 = arith.cmpi ne, %sign3A_446, %sign3A_453 : i32
    %rem3A_455 = arith.remsi %add3A_437, %jit3A_438 : i32
    %ne3A_456 = arith.constant 0 : i32
    %ne3A_457 = arith.cmpi ne, %rem3A_455, %ne3A_456 : i32
    %and3A_458 = arith.andi %ne3A_454, %ne3A_457 : i1
    %sub3A_459 = arith.constant 1 : i32
    %sub3A_460 = arith.subi %div3A_439, %sub3A_459 : i32
    %select_n3A_461 = arith.select %and3A_458, %sub3A_460, %div3A_439 : i32
    %jit3A_462 = arith.constant 32 : i32
    %eq3A_463 = arith.constant 0 : i32
    %eq3A_464 = arith.cmpi eq, %jit3A_462, %eq3A_463 : i32
    %jit3A_465 = arith.constant 1 : i32
    %select_n3A_466 = arith.select %eq3A_464, %jit3A_465, %jit3A_462 : i32
    %rem3A_467 = arith.remsi %add3A_437, %select_n3A_466 : i32
    %ne3A_468 = arith.constant 0 : i32
    %ne3A_469 = arith.cmpi ne, %rem3A_467, %ne3A_468 : i32
    %lt3A_470 = arith.constant 0 : i32
    %lt3A_471 = arith.cmpi slt, %rem3A_467, %lt3A_470 : i32
    %lt3A_472 = arith.constant 0 : i32
    %lt3A_473 = arith.cmpi slt, %select_n3A_466, %lt3A_472 : i32
    %ne3A_474 = arith.xori %lt3A_471, %lt3A_473 : i1
    %and3A_475 = arith.andi %ne3A_474, %ne3A_469 : i1
    %add3A_476 = arith.addi %rem3A_467, %select_n3A_466 : i32
    %select_n3A_477 = arith.select %and3A_475, %add3A_476, %rem3A_467 : i32
    %mul3A_478 = arith.constant 128 : i32
    %mul3A_479 = arith.muli %select_n3A_477, %mul3A_478 : i32
    %dma_wait3A_480 = arith.constant 3 : i32
    %dma_wait3A_481 = arith.constant 1 : i32
    %dma_wait3A_482 = arith.constant 0 : i32
    %dma_wait3A_483 = arith.constant 0 : i32
    %dma_wait3A_484 = tpu.memref_slice %arg6[%dma_wait3A_480, %dma_wait3A_482, %dma_wait3A_483] : memref<4x128x128xf32, #tpu.memory_space<vmem>> -> memref<1x128x128xf32, #tpu.memory_space<vmem>>
    %dma_wait3A_485 = tpu.memref_squeeze %dma_wait3A_484 : memref<1x128x128xf32, #tpu.memory_space<vmem>> -> memref<128x128xf32, #tpu.memory_space<vmem>>
    %dma_wait3A_486 = arith.constant 0 : i32
    %dma_wait3A_487 = tpu.memref_slice %arg4[%select_n3A_461, %mul3A_479, %dma_wait3A_486] : memref<200x4096x128xf32, #tpu.memory_space<hbm>> -> memref<1x128x128xf32, #tpu.memory_space<hbm>>
    %dma_wait3A_488 = tpu.memref_squeeze %dma_wait3A_487 : memref<1x128x128xf32, #tpu.memory_space<hbm>> -> memref<128x128xf32, #tpu.memory_space<hbm>>
    %dma_wait3A_489 = tpu.memref_slice %arg9[%dma_wait3A_481] : memref<2x!tpu.dma_semaphore, #tpu.memory_space<semaphore_mem>> -> memref<1x!tpu.dma_semaphore, #tpu.memory_space<semaphore_mem>>
    %dma_wait3A_490 = tpu.memref_squeeze %dma_wait3A_489 : memref<1x!tpu.dma_semaphore, #tpu.memory_space<semaphore_mem>> -> memref<!tpu.dma_semaphore, #tpu.memory_space<semaphore_mem>>
    %dma_wait3A_491 = arith.constant 0 : i32
    %dma_wait3A_492 = tpu.memref_slice %arg4[%select_n3A_461, %mul3A_479, %dma_wait3A_491] : memref<200x4096x128xf32, #tpu.memory_space<hbm>> -> memref<1x128x128xf32, #tpu.memory_space<hbm>>
    %dma_wait3A_493 = tpu.memref_squeeze %dma_wait3A_492 : memref<1x128x128xf32, #tpu.memory_space<hbm>> -> memref<128x128xf32, #tpu.memory_space<hbm>>
    %dma_wait3A_494 = arith.constant 0 : i32
    %dma_wait3A_495 = arith.constant 0 : i32
    %dma_wait3A_496 = tpu.memref_slice %arg6[%dma_wait3A_480, %dma_wait3A_494, %dma_wait3A_495] : memref<4x128x128xf32, #tpu.memory_space<vmem>> -> memref<1x128x128xf32, #tpu.memory_space<vmem>>
    %dma_wait3A_497 = tpu.memref_squeeze %dma_wait3A_496 : memref<1x128x128xf32, #tpu.memory_space<vmem>> -> memref<128x128xf32, #tpu.memory_space<vmem>>
    tpu.wait_dma2 semaphore(%dma_wait3A_490 : memref<!tpu.dma_semaphore, #tpu.memory_space<semaphore_mem>>) src(%dma_wait3A_497 : memref<128x128xf32, #tpu.memory_space<vmem>>) dst(%dma_wait3A_493 : memref<128x128xf32, #tpu.memory_space<hbm>>)
    return
  }
}

</mosaic_0001>

<sc_bundles>
// kernel: kernel.3.cloned.1.call-start
scs
__scs_entry_jumppad:
0x0: {  	(pc) =	sbr.rel $0x88, $3  }
0x1: {  	(tag) =	ssettag $0x0;
	lr =	simm.s32 $0x1  }
0x2: {  	[smem:$0x3F9F] =	sst lr;
	_ =	strace $0xD0000000  }
0x3: {  	_ = 	snop  }
0x4: {  	_ = 	snop  }
0x5: {  	_ = 	snop  }
0x6: {  	_ = 	snop  }
0x7: {  	_ = 	snop  }
__scs_overlays_trampoline_lowered:
0x8: {  	[smem:$0x3FAE] =	sst s0  }
0x9: {  	[smem:$0x3FAF] =	sst s1  }
0xa: {  	[smem:$0x3FB0] =	sst s2  }
0xb: {  	[smem:$0x3FB1] =	sst s3  }
0xc: {  	[smem:$0x3FB2] =	sst s4  }
0xd: {  	[smem:$0x3FB3] =	sst s5  }
0xe: {  	[smem:$0x3FB4] =	sst s6  }
0xf: {  	[smem:$0x3FB5] =	sst s7  }
0x10: {  	[smem:$0x3FB6] =	sst s8  }
0x11: {  	[smem:$0x3FB7] =	sst s9;
	s0 =	simm.s32 @!p0 $0x0  }
0x12: {  	s1 =	sld [smem:$0x3F9D];
	s0 =	simm.s32 @p0 $0x1  }
0x13: {  	[smem:$0x3FB8] =	sst s0;
	s0 =	simm.s32 @!p1 $0x0  }
0x14: {  	s2 =	sld [smem:$0x3F9C];
	s0 =	simm.s32 @p1 $0x1  }
0x15: {  	[smem:$0x3FB9] =	sst s0;
	s0 =	simm.s32 @!p2 $0x0  }
0x16: {  	s3 =	sld [smem:$0x3FDB];
	s0 =	simm.s32 @p2 $0x1  }
0x17: {  	s4 =	simm.s32 $0x1BF5;
	[smem:$0x3FBB] =	sst s0  }
0x18: {  	s0 =	sld [smem:$0x3F9E];
	_ =	swait.ge [sflag:s4], $0x0  }
0x19: {  	s7 =	sld [smem:$0x3F9F]  }
0x1a: {  	s8 =	sadd.s32 $0xFFFFE003, lr  }
0x1b: {  	s9 =	sadd.s32 $0xFFFFFEF7, lr;
	s5 =	simm.s32 $0xFFFFFFFF;
	p2 =	slt.u32 s8, $0xFFFFF086  }
0x1c: {  	p1 =	slt.u32 s9, $0xF7A;
	s5 =	simm.s32 @!p2 $0x0  }
0x1d: {  	s5 =	simm.s32 @p1 $0x1;
	p0 =	seq.s32 s7, s2  }
0x1e: {  	s7 =	smul.u32 @!p0 $0xF7A, s2;
	p2 =	seq.s32 @!p0 s5, $0x0  }
0x1f: {  	s9 =	smul.u32 $0xF7A, s1;
	s8 =	simm.s32 @!p0 $0x1BF5;
	p2 =	por !p2, p0  }
0x20: {  	[sflag:s8] =	ssyncset.s32 @!p0 $0xFFFFF086;
	s6 =	sadd.s32 @!p0 s3, s7;
	s7 =	simm.s32 @!p0 $0x108  }
0x21: {  	s3 =	sadd.s32 s3, s9;
	s6 =	sadd.s32 @!p0 $0x88, s6;
	s7 =	simm.s32 @p2 $0x1082  }
0x22: {  	[simem:s7], [sflag:s8] =	dma.local @!p0 [hbm:s6], $0xF7A  }
0x23: {  	s9 =	sor.u32 $0xD0000000, s2;
	s6 =	simm.s32 $0x108;
	_ =	swait.ge @!p0 [sflag:s8], $0x0  }
0x24: {  	s3 =	sadd.s32 $0x88, s3;
	s6 =	simm.s32 @!p1 $0x1082;
	[sflag:s4] =	ssyncset.s32 $0xFFFFF086  }
0x25: {  	[simem:s6], [sflag:s4] =	dma.local [hbm:s3], $0xF7A  }
0x26: {  	[smem:$0x3F9F] =	sst s1;
	(tag) =	ssettag s2;
	_ =	strace s9  }
0x27: {  	s1 =	sld [smem:$0x3FAF]  }
0x28: {  	s2 =	sld [smem:$0x3FB0]  }
0x29: {  	s4 =	sld [smem:$0x3FB2]  }
0x2a: {  	p0 =	seq.s32 s5, $0x0;
	s5 =	sld [smem:$0x3FB3]  }
0x2b: {  	s6 =	sld [smem:$0x3FB4]  }
0x2c: {  	s7 =	sld [smem:$0x3FB5]  }
0x2d: {  	s3 =	simm.s32 $0x108;
	s8 =	sld [smem:$0x3FB6]  }
0x2e: {  	s3 =	simm.s32 @!p0 $0x1082;
	s9 =	sld [smem:$0x3FB7]  }
0x2f: {  	lr =	sadd.s32 s0, s3;
	s0 =	sld [smem:$0x3FAE]  }
0x30: {  	s3 =	sld [smem:$0x3FB1]  }
0x31: {  	[smem:$0x3FBA] =	sst s10  }
0x32: {  	s10 =	sld [smem:$0x3FB8];
	_ =	sdelay $0x3  }
0x33: {  	p0 =	seq.s32 s10, $0x1;
	s10 =	sld [smem:$0x3FBA];
	_ =	sdelay $0x3  }
0x34: {  	[smem:$0x3FBA] =	sst s10  }
0x35: {  	s10 =	sld [smem:$0x3FB9];
	_ =	sdelay $0x3  }
0x36: {  	p1 =	seq.s32 s10, $0x1;
	s10 =	sld [smem:$0x3FBA];
	_ =	sdelay $0x3  }
0x37: {  	[smem:$0x3FBA] =	sst s10  }
0x38: {  	s10 =	sld [smem:$0x3FBB]  }
0x39: {  	_ = 	snop;
	(pc) =	sbr.ind lr, $3  }
0x3a: {  	_ = 	snop  }
0x3b: {  	_ = 	snop  }
0x3c: {  	p2 =	seq.s32 s10, $0x1;
	s10 =	sld [smem:$0x3FBA]  }
0x3d: {  	_ =	shalt  }
0x3e: {  	_ =	shalt  }
0x3f: {  	_ =	shalt  }
0x40: {  	_ =	shalt  }
0x41: {  	_ =	shalt  }
0x42: {  	_ =	shalt  }
0x43: {  	_ =	shalt  }
0x44: {  	_ =	shalt  }
0x45: {  	_ =	shalt  }
0x46: {  	_ =	shalt  }
0x47: {  	_ =	shalt  }
0x48: {  	_ =	shalt  }
0x49: {  	_ =	shalt  }
0x4a: {  	_ =	shalt  }
0x4b: {  	_ =	shalt  }
0x4c: {  	_ =	shalt  }
0x4d: {  	_ =	shalt  }
0x4e: {  	_ =	shalt  }
0x4f: {  	_ =	shalt  }
0x50: {  	_ =	shalt  }
0x51: {  	_ =	shalt  }
0x52: {  	_ =	shalt  }
0x53: {  	_ =	shalt  }
0x54: {  	_ =	shalt  }
0x55: {  	_ =	shalt  }
0x56: {  	_ =	shalt  }
0x57: {  	_ =	shalt  }
0x58: {  	_ =	shalt  }
0x59: {  	_ =	shalt  }
0x5a: {  	_ =	shalt  }
0x5b: {  	_ =	shalt  }
0x5c: {  	_ =	shalt  }
0x5d: {  	_ =	shalt  }
0x5e: {  	_ =	shalt  }
0x5f: {  	_ =	shalt  }
0x60: {  	_ =	shalt  }
0x61: {  	_ =	shalt  }
0x62: {  	_ =	shalt  }
0x63: {  	_ =	shalt  }
0x64: {  	_ =	shalt  }
0x65: {  	_ =	shalt  }
0x66: {  	_ =	shalt  }
0x67: {  	_ =	shalt  }
0x68: {  	_ =	shalt  }
0x69: {  	_ =	shalt  }
0x6a: {  	_ =	shalt  }
0x6b: {  	_ =	shalt  }
0x6c: {  	_ =	shalt  }
0x6d: {  	_ =	shalt  }
0x6e: {  	_ =	shalt  }
0x6f: {  	_ =	shalt  }
0x70: {  	_ =	shalt  }
0x71: {  	_ =	shalt  }
0x72: {  	_ =	shalt  }
0x73: {  	_ =	shalt  }
0x74: {  	_ =	shalt  }
0x75: {  	_ =	shalt  }
0x76: {  	_ =	shalt  }
0x77: {  	_ =	shalt  }
0x78: {  	_ =	shalt  }
0x79: {  	_ =	shalt  }
0x7a: {  	_ =	shalt  }
0x7b: {  	_ =	shalt  }
0x7c: {  	_ =	shalt  }
0x7d: {  	_ =	shalt  }
0x7e: {  	_ =	shalt  }
0x7f: {  	_ =	shalt  }
0x80: {  	_ =	shalt  }
0x81: {  	_ =	shalt  }
0x82: {  	_ =	shalt  }
0x83: {  	_ =	shalt  }
0x84: {  	_ =	shalt  }
0x85: {  	_ =	shalt  }
0x86: {  	_ =	shalt  }
0x87: {  	_ =	shalt  }
.Lfunc_end0:
.L_simem_size_0:
called_computation.1_lowered:
.L_overlay_start_0:
0x88: {  	s2 =	sld [smem:$0x3FD9]  }
0x89: {  	s3 =	sld [smem:$0x3FFE];
	_ =	sdelay $0x1  }
0x8a: {  	s1 =	srdreg.scid  }
0x8b: {  	s0 =	sand.u32 $0x1, s1  }
0x8c: {  	s17 =	sshll.u32 s0, $0xA;
	s2 =	sadd.s32 s3, s2  }
0x8d: {  	s2 =	sadd.s32 s2, s17  }
0x8e: {  	[smem:$0x3FC6] =	sst s2  }
0x8f: {  	_ = 	snop  }
0x90: {  	s2 =	sld [smem:$0x3FC9];
	(tm) =	ssettm $0x1  }
0x91: {  	s18 =	sld [smem:$0x3FFB];
	_ =	sdelay $0x3  }
0x92: {  	_ =	strace s18  }
0x93: {  	s3 =	sld [smem:$0x3FFC];
	_ =	sdelay $0x3  }
0x94: {  	_ =	strace s3  }
0x95: {  	s3 =	sld [smem:$0x3FFD];
	_ =	sdelay $0x3  }
0x96: {  	_ =	strace s3  }
0x97: {  	_ =	strace $0x8FFFFFFF  }
0x98: {  	s19 =	sld [smem:$0x3FDB];
	_ =	sdelay $0x1  }
0x99: {  	s4 =	simm.s32 $_scs_section_size  }
0x9a: {  	s5 =	simm.s32 $_size__tile_overlayer_lowered;
	s6 =	simm.s32 $_tile_overlayer_lowered  }
0x9b: {  	s22 =	simm.s32 $0x1BFF;
	s21 =	sshll.u32 s6, $0x1;
	s3 =	sadd.s32 s4, s19  }
0x9c: {  	s7 =	simm.s32 $0x0;
	s20 =	sshll.u32 s5, $0x1;
	s5 =	sadd.s32 s21, s3  }
0x9d: {  	[timem:s7], [sflag:s22] =	dma.local [hbm:s5], s20  }
0x9e: {  	_ =	swait.ge [sflag:s22], s20  }
0x9f: {  	s4 =	ssub.s32 $0x0, s20;
	[sflag:s22] =	ssyncset.done $0x0  }
0xa0: {  	[sflag:s22] =	ssyncadd.s32 s4;
	_ =	sdelay $0x1  }
0xa1: {  	s23 =	simm.s32 $0x1B8B  }
0xa2: {  	_ =	swait.ge [sflag:s23], $0x1  }
0xa3: {  	[sflag:s23] =	ssyncset.done $0x0  }
0xa4: {  	s25 =	simm.s32 $0x1B8E;
	s24 =	sld [smem:$0x3FFE];
	[sflag:s23] =	ssyncadd.s32 $0xFFFFFFFF  }
0xa5: {  	s26 =	simm.s32 $execute0_lowered;
	[smem:$0x3FD2] =	sst s25  }
0xa6: {  	s5 =	sshll.u32 s26, $0x1;
	_ =	strace $0x80000046;
	[dreg:$0x1] =	wrdreg $0xFFFFFFFF  }
0xa7: {  	s28 =	simm.s32 $_size_execute0_lowered;
	s3 =	sadd.s32 s3, s5;
	[dreg:$0x0] =	wrdreg $0x0  }
0xa8: {  	s5 =	sshll.u32 s28, $0x1;
	[dreg:$0x2] =	wrdreg s3  }
0xa9: {  	[dreg:$0x3] =	wrdreg s5  }
0xaa: {  	[dreg:$0x4] =	wrdreg $0xC0  }
0xab: {  	_ =	task [dreg:s7], $0x5FFFF  }
0xac: {  	[dreg:$0x1] =	wrdreg $0xFFFFFFFF  }
0xad: {  	[dreg:$0x0] =	wrdreg $0x60  }
0xae: {  	[dreg:$0x2] =	wrdreg s2  }
0xaf: {  	[dreg:$0x3] =	wrdreg s24  }
0xb0: {  	[dreg:$0x4] =	wrdreg $0x9  }
0xb1: {  	_ =	task.clear_ibuf [dreg:s7], $0x5FFFF;
	_ =	strace $0x90000046  }
0xb2: {  	s29 =	simm.s32 $0x9;
	_ =	strace $0x80000048  }
0xb3: {  	_ =	swait.ge [sflag:s29], $0x1  }
0xb4: {  	[sflag:s29] =	ssyncadd.s32 $0xFFFFFFFF  }
0xb5: {  	_ =	strace $0x90000048  }
0xb6: {  	_ =	sfence  }
0xb7: {  	s30 =	sld [smem:$0x0];
	_ =	sdelay $0x2  }
0xb8: {  	s31 =	sshll.u32 s1, $0xD;
	s1 =	sshrl.u32 s1, $0x2  }
0xb9: {  	s3 =	sand.u32 $0x4000, s31;
	s1 =	sadd.s32 s1, s30  }
0xba: {  	s0 =	sor.u32 s3, s0;
	s1 =	sshll.u32 s1, $0x11  }
0xbb: {  	s0 =	sor.u32 s1, s0  }
0xbc: {  	s0 =	sadd.s32 $0x8F2B, s0  }
0xbd: {  	[sflag:s0] =	ssyncadd.remote.s32 $0x1  }
0xbe: {  	_ =	sfence.sel $0xFFFF  }
0xbf: {  	[dreg:$0x0] =	wrdreg $0xFFFFFFFF;
	(pc) =	sbr.abs _section_cstart, $3  }
0xc0: {  	[dreg:$0x1] =	wrdreg $0xFFFFFFFF  }
0xc1: {  	_ =	task.clear_ibuf [dreg:s7], $0x2FFFF;
	_ =	strace $0x9FFFFFFF  }
0xc2: {  	(tm) =	ssettm $0x7FFFFFFF  }
0xc3: {  	_ =	shalt  }
tec
execute0_lowered:
.L_overlay_start_1:
0x0: {  	(tag) =	ssettag $0x1  }
0x1: {  	s2 =	rddreg [dreg:$0x0];
	s0 =	stileid.u32  }
0x2: {  	s1 =	srdreg.scid;
	s5 =	rddreg [dreg:$0x1]  }
0x3: {  	s3 =	simm.s32 $0x0;
	s14 =	simm.s32 $0x100;
	s15 =	simm.s32 $0x180  }
0x4: {  	s16 =	simm.s32 $0x1;
	s17 =	simm.s32 $0x200;
	s18 =	simm.s32 $0x2  }
0x5: {  	s19 =	simm.s32 $0x4200;
	s20 =	simm.s32 $0x7;
	s21 =	simm.s32 $0x8  }
0x6: {  	s22 =	simm.s32 $0x0;
	s7 =	sand.u32 $0x1, s1;
	s9 =	smul.u32 $0xC8000, s0  }
0x7: {  	s4 =	sshll.u32 s0, $0x1;
	[smem:$0x7FF] =	sst s3;
	s28 =	smul.u32 $0x190, s0  }
0x8: {  	s6 =	sor.u32 s7, s4;
	_ =	strace $0x80000047;
	s30 =	smul.u32 $0xC8, s7  }
0x9: {  	s4 =	sadd.s32 $0xF42C00, s5;
	s26 =	ssub.s32 $0x2, s7;
	s13 =	smul.u32 $0x64000, s7  }
0xa: {  	s8 =	smul.u32 $0xC8, s6;
	s6 =	sshll.u32 s6, $0xA;
	s29 =	sshrl.u32 s26, $0x1  }
0xb: {  	s11 =	sadd.s32 s9, s5;
	s6 =	sand.u32 $0xC00, s6;
	s12 =	ssub.s32 s26, s29  }
0xc: {  	s31 =	sadd.s32 s13, s11;
	s13 =	simm.s32 $0x80;
	s10 =	sshll.u32 s8, $0x4  }
.Ltmp0:
0xd: {  	s8 =	sshrl.u32 s8, $0x1;
	s10 =	sand.u32 $0x1F000, s10;
	(pc) =	sbr.rel .LBB2_1-.Ltmp0, $4  }
0xe: {  	s25 =	sand.u32 $0x70, s8;
	s24 =	sor.u32 s6, s10;
	s10 =	sadd.s32 s30, s28  }
0xf: {  	s9 =	smax.u32 s12, $0x1;
	s5 =	sor.u32 s25, s24;
	s10 =	sor.u32 $0x4, s10  }
0x10: {  	s12 =	sadd.s32 $0x800, s31;
	s5 =	sadd.s32 s2, s5;
	s11 =	sshll.u32 s10, $0x7  }
0x11: {  	s6 =	sadd.s32 $0x80, s5;
	s7 =	sadd.s32 $0x100, s5;
	s8 =	sadd.s32 $0x180, s5  }
.LBB2_8:
0x12: {  	s22 =	sadd.s32 $0x1, s22  }
0x13: {  	_ =	swait.ge [sflag:s20], $0x4000;
	p0 =	sne.s32 s22, s9  }
.Ltmp1:
0x14: {  	[sflag:s20] =	ssyncset.done $0x0;
	(pc) =	sbr.rel @!p0 .LBB2_9-.Ltmp1, $4  }
0x15: {  	[sflag:s20] =	ssyncadd.s32 $0xFFFFC000  }
0x16: {  	_ =	swait.ge [sflag:s21], $0x4000  }
0x17: {  	[sflag:s21] =	ssyncset.done $0x0  }
0x18: {  	[sflag:s21] =	ssyncadd.s32 $0xFFFFC000  }
.LBB2_1:
0x19: {  	[tilespmem:s3], [sflag:$0x1] =	stream.linear.gather [hbm4b:s5+s3], $0x80, $0x38;
	[tilespmem:$0x10200] =	vst v63  }
0x1a: {  	_ = 	snop  }
0x1b: {  	[tilespmem:s13], [sflag:$0x2] =	stream.linear.gather [hbm4b:s6+s3], $0x80, $0x38;
	[tilespmem:$0x10200] =	vst v63  }
0x1c: {  	_ = 	snop  }
0x1d: {  	[tilespmem:s14], [sflag:$0x3] =	stream.linear.gather [hbm4b:s7+s3], $0x80, $0x38;
	[tilespmem:$0x10200] =	vst v63  }
0x1e: {  	_ = 	snop  }
0x1f: {  	[tilespmem:s15], [sflag:$0x4] =	stream.linear.gather [hbm4b:s8+s3], $0x80, $0x38;
	[tilespmem:$0x10200] =	vst v63  }
0x20: {  	_ =	swait.ge [sflag:s16], $0x80  }
0x21: {  	[sflag:s16] =	ssyncset.done $0x0  }
0x22: {  	[sflag:s16] =	ssyncadd.s32 $0xFFFFFF80  }
0x23: {  	[tilespmem:s17], [sflag:$0x5] =	stream.indirect.gather [hbm4b:s4+s13], $0x80, s3, s13, $0xb8;
	[tilespmem:$0x10200] =	vst v63  }
.Ltmp2:
0x24: {  	_ = 	snop;
	(pc) =	sbr.rel .LBB2_2-.Ltmp2, $4  }
0x25: {  	_ =	swait.ge [sflag:s18], $0x80  }
0x26: {  	s23 =	smov.u32 s12;
	s24 =	simm.s32 $0x0;
	[sflag:s18] =	ssyncset.done $0x0  }
0x27: {  	s25 =	smov.u32 s11;
	s26 =	simm.s32 $0x0;
	[sflag:s18] =	ssyncadd.s32 $0xFFFFFF80  }
0x28: {  	[tilespmem:s19], [sflag:$0x6] =	stream.indirect.gather [hbm4b:s4+s13], $0x80, s13, s13, $0xb8;
	[tilespmem:$0x10200] =	vst v63  }
.LBB2_3:
0x29: {  	s29 =	sadd.s32 s26, s10  }
0x2a: {  	s30 =	sshll.u32 s29, $0x4;
	s29 =	sshrl.u32 s29, $0x1  }
0x2b: {  	s31 =	sand.u32 $0xF80, s25;
	s30 =	sand.u32 $0xFFFF000, s30;
	s1 =	sand.u32 $0x70, s29  }
0x2c: {  	s29 =	sand.u32 $0x3, s26;
	s30 =	sor.u32 s30, s31;
	s1 =	sadd.s32 s2, s1  }
0x2d: {  	s31 =	sshll.u32 s29, $0x7;
	s0 =	sadd.s32 $0x1, s29;
	s1 =	sadd.s32 s30, s1  }
0x2e: {  	[tilespmem:s31], [sflag:s0] =	stream.linear.gather [hbm4b:s1+s3], $0x80, $0x38;
	[tilespmem:$0x10200] =	vst v63  }
.LBB2_6:
0x2f: {  	s0 =	sxor.u32 $0x2, s29  }
0x30: {  	s1 =	sadd.s32 $0x1, s0  }
0x31: {  	_ =	swait.ge [sflag:s1], $0x80  }
0x32: {  	s29 =	sshll.u32 s0, $0xE;
	[sflag:s1] =	ssyncset.done $0x0  }
0x33: {  	s0 =	sshll.u32 s0, $0x7;
	s31 =	sor.u32 $0x200, s29;
	[sflag:s1] =	ssyncadd.s32 $0xFFFFFF80  }
0x34: {  	[tilespmem:s31], [sflag:s28] =	stream.indirect.gather [hbm4b:s4+s13], $0x80, s0, s13, $0xb8;
	[tilespmem:$0x10200] =	vst v63  }
.LBB2_7:
0x35: {  	s26 =	sadd.s32 $0x1, s26  }
0x36: {  	p0 =	sne.s32 s26, $0xC8  }
.Ltmp3:
0x37: {  	_ = 	snop;
	(pc) =	sbr.rel @!p0 .LBB2_8-.Ltmp3, $2  }
0x38: {  	_ =	sdelay $0x2  }
0x39: {  	s25 =	sadd.s32 $0x80, s25;
	s24 =	sadd.s32 $0x4000, s24;
	s23 =	sadd.s32 $0x800, s23  }
.LBB2_2:
0x3a: {  	s29 =	sand.u32 $0x1, s26  }
0x3b: {  	s28 =	sadd.s32 $0x5, s29  }
0x3c: {  	_ =	swait.ge [sflag:s28], $0x4000  }
0x3d: {  	p0 =	slt.u32 s26, $0x2;
	[sflag:s28] =	ssyncset.done $0x0  }
0x3e: {  	s30 =	sadd.s32 @!p0 $0x7, s29;
	[sflag:s28] =	ssyncadd.s32 $0xFFFFC000  }
0x3f: {  	_ =	swait.ge @!p0 [sflag:s30], $0x4000  }
0x40: {  	[sflag:s30] =	ssyncset.done @!p0 $0x0  }
0x41: {  	[sflag:s30] =	ssyncadd.s32 @!p0 $0xFFFFC000;
	p0 =	sgt.u32 s26, $0xC3  }
.Ltmp4:
0x42: {  	_ = 	snop;
	(pc) =	sbr.rel @!p0 .LBB2_3-.Ltmp4, $4  }
0x43: {  	_ = 	snop  }
0x44: {  	s31 =	sand.u32 $0xC000, s24  }
0x45: {  	s29 =	sadd.s32 $0x7, s29;
	s31 =	sor.u32 $0x200, s31  }
0x46: {  	[hbm4b:s23+s3] =	stream.linear.scatter [tilespmem:s31], [sflag:s29], $0x4000, $0x38;
	[tilespmem:$0x10200] =	vst v63  }
0x47: {  	p0 =	sgt.u32 s26, $0xC5  }
.Ltmp5:
0x48: {  	_ = 	snop;
	(pc) =	sbr.rel @p0 .LBB2_7-.Ltmp5, $1  }
0x49: {  	_ =	sdelay $0x3  }
.Ltmp6:
0x4a: {  	(pc) =	sbr.rel .LBB2_6-.Ltmp6, $2  }
0x4b: {  	_ =	sdelay $0x2  }
0x4c: {  	s29 =	sand.u32 $0x3, s26  }
.LBB2_9:
0x4d: {  	_ =	sfence.sel $0x180000  }
0x4e: {  	[bflag:$0x0] =	sbarrier.arrive $0xFFFF  }
0x4f: {  	_ =	strace $0x90000047  }
0x50: {  	s0 =	stileid.u32;
	[bflag:$0x2] =	sbarrier.arrive $0xFFFF  }
0x51: {  	p0 =	sne.s32 s0, $0x0;
	s0 =	rddreg [dreg:$0x2]  }
0x52: {  	s0 =	sadd.s32 @!p0 $0x100000, s0  }
0x53: {  	[sflag:s0] =	ssyncadd.tile.s32 @!p0 $0x1;
	_ =	shalt  }
.Lfunc_end2:
_tile_overlayer_lowered:
.L_overlay_start_2:
0x54: {  	(tag) =	ssettag $0x2  }
0x55: {  	s0 =	rddreg [dreg:$0x0];
	s2 =	stileid.u32  }
0x56: {  	s1 =	rddreg [dreg:$0x1];
	p0 =	sne.s32 s2, $0x0  }
0x57: {  	s3 =	rddreg [dreg:$0x2];
	[bflag:$0x3] =	sbarrier.arrive $0xFFFF;
	s2 =	simm.s32 @!p0 $0x1C09  }
0x58: {  	[timem:s3], [sflag:s2] =	dma.local @!p0 [hbm:s0], s1  }
0x59: {  	s0 =	simm.s32 @!p0 $0x9  }
0x5a: {  	_ =	swait.ge @!p0 [sflag:s0], s1  }
0x5b: {  	s1 =	ssub.s32 @!p0 $0x0, s1;
	[sflag:s0] =	ssyncset.done @!p0 $0x0  }
0x5c: {  	[sflag:s0] =	ssyncadd.s32 @!p0 s1  }
0x5d: {  	[bflag:$0x3] =	sbarrier.arrive $0xFFFF  }
0x5e: {  	_ =	shalt  }

// kernel: sparse-core-data-format-call.cloned.1.call-start
scs
called_computation_lowered:
.L_overlay_start_0:
0x0: {  	s2 =	sld [smem:$0x3FD9]  }
0x1: {  	s3 =	sld [smem:$0x3FFE];
	_ =	sdelay $0x1  }
0x2: {  	s1 =	srdreg.scid  }
0x3: {  	s0 =	sand.u32 $0x1, s1  }
0x4: {  	s18 =	sshll.u32 s0, $0xA;
	s2 =	sadd.s32 s3, s2  }
0x5: {  	s2 =	sadd.s32 s2, s18  }
0x6: {  	[smem:$0x3FC6] =	sst s2  }
0x7: {  	_ = 	snop  }
0x8: {  	s2 =	sld [smem:$0x3FD0];
	(tm) =	ssettm $0x1  }
0x9: {  	s19 =	sld [smem:$0x3FFB];
	_ =	sdelay $0x3  }
0xa: {  	_ =	strace s19  }
0xb: {  	s3 =	sld [smem:$0x3FFC];
	_ =	sdelay $0x3  }
0xc: {  	_ =	strace s3  }
0xd: {  	s3 =	sld [smem:$0x3FFD];
	_ =	sdelay $0x3  }
0xe: {  	_ =	strace s3  }
0xf: {  	_ =	strace $0x8FFFFFFF  }
0x10: {  	s20 =	sld [smem:$0x3FDB];
	_ =	sdelay $0x1  }
0x11: {  	s4 =	simm.s32 $_scs_section_size  }
0x12: {  	s5 =	simm.s32 $_size__tile_overlayer_lowered;
	s6 =	simm.s32 $_tile_overlayer_lowered  }
0x13: {  	s23 =	simm.s32 $0x1BFF;
	s22 =	sshll.u32 s6, $0x1;
	s3 =	sadd.s32 s4, s20  }
0x14: {  	s7 =	simm.s32 $0x0;
	s21 =	sshll.u32 s5, $0x1;
	s5 =	sadd.s32 s22, s3  }
0x15: {  	[timem:s7], [sflag:s23] =	dma.local [hbm:s5], s21  }
0x16: {  	_ =	swait.ge [sflag:s23], s21  }
0x17: {  	s4 =	ssub.s32 $0x0, s21;
	[sflag:s23] =	ssyncset.done $0x0  }
0x18: {  	[sflag:s23] =	ssyncadd.s32 s4;
	_ =	sdelay $0x1  }
0x19: {  	s24 =	simm.s32 $0x1B8B  }
0x1a: {  	_ =	swait.ge [sflag:s24], $0x1  }
0x1b: {  	[sflag:s24] =	ssyncset.done $0x0  }
0x1c: {  	s26 =	simm.s32 $0x1B8E;
	s25 =	sld [smem:$0x3FFE];
	[sflag:s24] =	ssyncadd.s32 $0xFFFFFFFF  }
0x1d: {  	s27 =	simm.s32 $execute0_lowered;
	[smem:$0x3FD2] =	sst s26  }
0x1e: {  	s5 =	sshll.u32 s27, $0x1;
	_ =	strace $0x80000049;
	[dreg:$0x1] =	wrdreg $0xFFFFFFFF  }
0x1f: {  	s28 =	simm.s32 $_size_execute0_lowered;
	s3 =	sadd.s32 s3, s5;
	[dreg:$0x0] =	wrdreg $0x0  }
0x20: {  	s5 =	sshll.u32 s28, $0x1;
	[dreg:$0x2] =	wrdreg s3  }
0x21: {  	[dreg:$0x3] =	wrdreg s5  }
0x22: {  	[dreg:$0x4] =	wrdreg $0xC0  }
0x23: {  	_ =	task [dreg:s7], $0x5FFFF  }
0x24: {  	[dreg:$0x1] =	wrdreg $0xFFFFFFFF  }
0x25: {  	[dreg:$0x0] =	wrdreg $0x60  }
0x26: {  	[dreg:$0x2] =	wrdreg s25  }
0x27: {  	[dreg:$0x3] =	wrdreg s2  }
0x28: {  	[dreg:$0x4] =	wrdreg $0x9  }
0x29: {  	_ =	task.clear_ibuf [dreg:s7], $0x5FFFF;
	_ =	strace $0x90000049  }
0x2a: {  	s29 =	simm.s32 $0x9;
	_ =	strace $0x8000004B  }
0x2b: {  	_ =	swait.ge [sflag:s29], $0x1  }
0x2c: {  	[sflag:s29] =	ssyncadd.s32 $0xFFFFFFFF  }
0x2d: {  	_ =	strace $0x9000004B  }
0x2e: {  	_ =	sfence  }
0x2f: {  	s30 =	sld [smem:$0x0];
	_ =	sdelay $0x2  }
0x30: {  	s31 =	sshll.u32 s1, $0xD;
	s1 =	sshrl.u32 s1, $0x2  }
0x31: {  	s3 =	sand.u32 $0x4000, s31;
	s1 =	sadd.s32 s1, s30  }
0x32: {  	s0 =	sor.u32 s3, s0;
	s1 =	sshll.u32 s1, $0x11  }
0x33: {  	s0 =	sor.u32 s1, s0  }
0x34: {  	s0 =	sadd.s32 $0x8F2B, s0  }
0x35: {  	[sflag:s0] =	ssyncadd.remote.s32 $0x1  }
0x36: {  	_ =	sfence.sel $0xFFFF  }
0x37: {  	[dreg:$0x0] =	wrdreg $0xFFFFFFFF;
	(pc) =	sbr.abs _section_cstart, $3  }
0x38: {  	[dreg:$0x1] =	wrdreg $0xFFFFFFFF  }
0x39: {  	_ =	task.clear_ibuf [dreg:s7], $0x2FFFF;
	_ =	strace $0x9FFFFFFF  }
0x3a: {  	(tm) =	ssettm $0x7FFFFFFF  }
0x3b: {  	_ =	shalt  }
tec
execute0_lowered:
.L_overlay_start_1:
0x0: {  	(tag) =	ssettag $0x1  }
0x1: {  	s0 =	srdreg.scid  }
0x2: {  	s1 =	sshll.u32 s0, $0x4  }
0x3: {  	s5 =	rddreg [dreg:$0x0];
	s0 =	stileid.u32;
	s1 =	sand.u32 $0x10, s1  }
0x4: {  	s3 =	rddreg [dreg:$0x1];
	s31 =	simm.s32 $0x2;
	s4 =	sor.u32 s0, s1  }
0x5: {  	s13 =	simm.s32 $0x0;
	s9 =	simm.s32 $0x400;
	s2 =	sshll.u32 s4, $0x7  }
0x6: {  	s10 =	simm.s32 $0x8000;
	s14 =	simm.s32 $0x0;
	s6 =	ssub.s32 $0x1000, s2  }
0x7: {  	s1 =	rddreg [dreg:$0x2];
	_ =	strace $0x8000004A;
	s7 =	sand.u32 $0xF80, s6  }
0x8: {  	s4 =	sshll.u32 s4, $0xB;
	p0 =	sne.s32 s7, $0x0;
	s7 =	simm.s32 $0x1  }
.Ltmp0:
0x9: {  	s6 =	sshrl.u32 s6, $0xC;
	s7 =	simm.s32 @!p0 $0x0;
	(pc) =	sbr.rel .LBB1_1-.Ltmp0, $4  }
0xa: {  	s8 =	sadd.s32 s4, s5;
	s4 =	simm.s32 $0x1;
	s30 =	sadd.s32 s7, s6  }
0xb: {  	s11 =	simm.s32 $0x0;
	[sflag:s4] =	ssyncpa.u1 $0x0;
	s5 =	smul.u32 $0x64, s30  }
0xc: {  	s12 =	simm.s32 $0x0;
	[sflag:s31] =	ssyncpa.u1 $0x0;
	p0 =	por $0x0, $0x0  }
0xd: {  	s6 =	sadd.s32 $0xC80800, s8;
	s7 =	sadd.s32 $0xC90800, s8;
	s8 =	sor.u32 $0x1, s5  }
.LBB1_7:
0xe: {  	s15 =	sadd.s32 $0x2, s11  }
0xf: {  	p2 =	sgt.s32 s15, $0xC7  }
0x10: {  	s15 =	simm.s32 @p2 $0x0;
	p2 =	sne.s32 s12, s8  }
.Ltmp1:
0x11: {  	p1 =	slt.u32 s12, $0x2;
	(pc) =	sbr.rel @!p2 .LBB1_8-.Ltmp1, $4  }
0x12: {  	s13 =	simm.s32 @!p1 $0x2  }
0x13: {  	s16 =	sadd.s32 $0x1, s12;
	s14 =	smov.u32 s11;
	_ =	swait.ge @!p1 [sflag:s13], $0x4000  }
0x14: {  	p0 =	por !p0, !p0;
	s12 =	smov.u32 s16;
	[sflag:s13] =	ssyncset.done @!p1 $0x0  }
0x15: {  	s11 =	smov.u32 s15;
	[sflag:s13] =	ssyncadd.s32 @!p1 $0xFFFFC000;
	s13 =	smov.u32 s2  }
.LBB1_1:
0x16: {  	p1 =	sge.u32 s12, s5  }
0x17: {  	s15 =	sxor.u32 @!p1 $0xFFFFFFFF, s12  }
0x18: {  	s16 =	sshll.u32 @!p1 s11, $0x10;
	s18 =	simm.s32 @!p1 $0x40;
	s15 =	sshll.u32 @!p1 s15, $0xE  }
0x19: {  	s19 =	simm.s32 @!p1 $0x80;
	s17 =	sadd.s32 @!p1 s16, s6;
	s15 =	sand.u32 @!p1 $0x4000, s15  }
0x1a: {  	[tilespmem:s15], [sflag:$0x1] =	stream.strided.gather @!p1 [hbm4b:s17+s18], $0x2000, s19, s18, $0x38;
	[tilespmem:$0x10100] =	vst v63  }
0x1b: {  	s31 =	sadd.s32 $0xFFFFFFFF, s12;
	s16 =	sadd.s32 @!p1 s16, s7;
	s15 =	sor.u32 @!p1 $0x2000, s15  }
0x1c: {  	[tilespmem:s15], [sflag:$0x1] =	stream.strided.gather @!p1 [hbm4b:s16+s18], $0x2000, s19, s18, $0x38;
	[tilespmem:$0x10100] =	vst v63  }
0x1d: {  	p1 =	sge.u32 s31, s5  }
.Ltmp2:
0x1e: {  	_ = 	snop;
	(pc) =	sbr.rel @p1 .LBB1_7-.Ltmp2, $1  }
0x1f: {  	_ =	sdelay $0x3  }
0x20: {  	s15 =	simm.s32 $0x1;
	s17 =	sand.u32 $0x1, s12  }
0x21: {  	_ =	swait.ge [sflag:s4], $0x4000;
	s15 =	simm.s32 @!p0 $0x0;
	s17 =	smul.u32 $0x10200, s17  }
0x22: {  	p2 =	por $0x1, $0x1;
	[sflag:s4] =	ssyncset.done $0x0;
	s16 =	smul.u32 $0x10200, s15  }
0x23: {  	s18 =	sshll.u32 s15, $0x10;
	[sflag:s4] =	ssyncadd.s32 $0xFFFFC000;
	s30 =	sshrl.u32 s17, $0x2  }
0x24: {  	s31 =	sshrl.u32 s18, $0x2;
	s18 =	simm.s32 $0x0;
	s16 =	sshrl.u32 s16, $0x2  }
0x25: {  	s15 =	sor.u32 $0x8000, s30;
	s17 =	sadd.s32 $0x20, s31;
	s16 =	sor.u32 $0x8000, s16  }
.LBB1_3:
0x26: {  	s19 =	sshll.u32 s18, $0xD  }
0x27: {  	s19 =	sand.u32 $0x3FFFE000, s19  }
0x28: {  	s21 =	sadd.s32 s19, s17  }
0x29: {  	s31 =	smul.u32 $0x8100, s18;
	v3 =	vld [tilespmem:s21+$0x10]  }
0x2a: {  	v1 =	vld [tilespmem:s21+$0xFFFFFFF0]  }
0x2b: {  	s18 =	sshra.s32 s31, $0x2;
	v0 =	vld [tilespmem:s21+$0x0]  }
0x2c: {  	s18 =	sadd.s32 s18, s16;
	v2 =	vld [tilespmem:s21+$0xFFFFFFE0]  }
0x2d: {  	s19 =	sadd.s32 $0x0, s18  }
0x2e: {  	p1 =	por p2, p2;
	s20 =	simm.s32 $0x4;
	s21 =	sadd.s32 $0x40, s21;
	[tilespmem:s19+$0x1830 ss:$0x81] =	vst.msk $0xffff, v3  }
.LBB1_4:
0x2f: {  	v3 =	vld [tilespmem:s21+$0x10];
	p2 =	sne.s32 s20, $0x1FC;
	[tilespmem:s19+$0x810 ss:$0x81] =	vst.msk $0xffff, v1;
	s22 =	smov.u32 s20;
	s20 =	sadd.s32 $0x4, s20  }
.Ltmp3:
0x30: {  	v1 =	vld [tilespmem:s21+$0xFFFFFFF0];
	[tilespmem:s19+$0x1020 ss:$0x81] =	vst.msk $0xffff, v0;
	(pc) =	sbr.rel @p2 .LBB1_4-.Ltmp3, $4  }
0x31: {  	v0 =	vld [tilespmem:s21+$0x0];
	[tilespmem:s19+$0x0 ss:$0x81] =	vst.msk $0xffff, v2  }
0x32: {  	s19 =	sshra.s32 s22, $0x2;
	v2 =	vld [tilespmem:s21+$0xFFFFFFE0]  }
0x33: {  	s19 =	sadd.s32 s19, s18  }
0x34: {  	s21 =	sadd.s32 $0x40, s21;
	[tilespmem:s19+$0x1830 ss:$0x81] =	vst.msk $0xffff, v3  }
.Ltmp4:
0x35: {  	(pc) =	sbr.rel @p1 .LBB1_3-.Ltmp4, $4  }
0x36: {  	_ = 	snop  }
0x37: {  	[tilespmem:s19+$0x810 ss:$0x81] =	vst.msk $0xffff, v1  }
0x38: {  	[tilespmem:s19+$0x1020 ss:$0x81] =	vst.msk $0xffff, v0  }
0x39: {  	s18 =	simm.s32 $0x1;
	p2 =	por $0x0, $0x0;
	[tilespmem:s19+$0x0 ss:$0x81] =	vst.msk $0xffff, v2  }
.Ltmp5:
0x3a: {  	(pc) =	sbr.rel .LBB1_7-.Ltmp5, $4  }
0x3b: {  	s14 =	sshll.u32 s14, $0xF  }
0x3c: {  	s14 =	sadd.s32 s3, s14  }
0x3d: {  	s13 =	sadd.s32 s13, s14  }
0x3e: {  	[hbm4b:s13+s9] =	stream.strided.scatter [tilespmem:s15], [sflag:$0x2], $0x4000, s10, s9, $0x20;
	[tilespmem:$0x10100] =	vst v63  }
.LBB1_8:
0x3f: {  	_ =	sfence.sel $0x180000  }
0x40: {  	s2 =	simm.s32 $0x1;
	[bflag:$0x0] =	sbarrier.arrive $0xFFFF  }
0x41: {  	s31 =	simm.s32 $0x2;
	[sflag:s2] =	ssyncpa.u1 $0x1  }
0x42: {  	[sflag:s31] =	ssyncpa.u1 $0x1  }
0x43: {  	p0 =	sne.s32 s0, $0x0;
	_ =	strace $0x9000004A  }
0x44: {  	s0 =	sadd.s32 @!p0 $0x100000, s1;
	[bflag:$0x2] =	sbarrier.arrive $0xFFFF  }
0x45: {  	[sflag:s0] =	ssyncadd.tile.s32 @!p0 $0x1;
	_ =	shalt  }
.Lfunc_end1:
_tile_overlayer_lowered:
.L_overlay_start_2:
0x46: {  	(tag) =	ssettag $0x2  }
0x47: {  	s0 =	rddreg [dreg:$0x0];
	s2 =	stileid.u32  }
0x48: {  	s1 =	rddreg [dreg:$0x1];
	p0 =	sne.s32 s2, $0x0  }
0x49: {  	s3 =	rddreg [dreg:$0x2];
	[bflag:$0x3] =	sbarrier.arrive $0xFFFF;
	s2 =	simm.s32 @!p0 $0x1C01  }
0x4a: {  	[timem:s3], [sflag:s2] =	dma.local @!p0 [hbm:s0], s1  }
0x4b: {  	s0 =	simm.s32 @!p0 $0x1  }
0x4c: {  	_ =	swait.ge @!p0 [sflag:s0], s1  }
0x4d: {  	s1 =	ssub.s32 @!p0 $0x0, s1;
	[sflag:s0] =	ssyncset.done @!p0 $0x0  }
0x4e: {  	[sflag:s0] =	ssyncadd.s32 @!p0 s1  }
0x4f: {  	[bflag:$0x3] =	sbarrier.arrive $0xFFFF  }
0x50: {  	_ =	shalt  }

</sc_bundles>
